<compile_context>
chip_gen: v7x
topology: tpu7x:2x2x1
jax: 0.10.2.dev20260603
libtpu: 0.0.44.dev20260713+nightly
codegen_flags: <defaults>
</compile_context>

<pallas_src>
import functools

import jax
import jax.numpy as jnp
from jax import lax
from jax.experimental import pallas as pl
from jax.experimental.pallas import tpu as pltpu
from jax.experimental.pallas import tpu_sc as plsc

N = 10000
NPAD = 10240
E = 320000
GPT = 160
NGRP = GPT * 16
EPAD = NGRP * 128
FH = 128
BM = 1280
GRID_M = NPAD // BM
RPT = NPAD // 16


@functools.cache
def _mesh():
    return plsc.VectorSubcoreMesh(core_axis_name="c", subcore_axis_name="s")


GPH = GPT // 2
DEG_LAG = 8


def _deg_body(dst_hbm, init_hbm, degp_hbm, didx_v, ones_v, z_sp, ssem):
    c = lax.axis_index("c")
    s = lax.axis_index("s")
    r0 = s * RPT
    ib = pl.multiple_of(c * RPT, 8)
    pltpu.sync_copy(init_hbm.at[pl.ds(ib, RPT)], z_sp.at[pl.ds(r0, RPT)])
    pltpu.sync_copy(init_hbm.at[pl.ds(0, 128)], ones_v)
    g0 = pl.multiple_of(c * (NGRP // 2) + s * GPH, 8)
    pltpu.sync_copy(dst_hbm.at[pl.ds(g0, GPH)], didx_v)
    plsc.subcore_barrier()

    def step(j, carry):
        pltpu.async_copy(ones_v, z_sp.at[didx_v.at[j]], ssem, add=True)

        @pl.when(j >= DEG_LAG)
        def _():
            pltpu.make_async_copy(ones_v, z_sp.at[didx_v.at[j - DEG_LAG]], ssem).wait()

        return carry

    lax.fori_loop(0, GPH, step, 0)

    def dstep(j, carry):
        pltpu.make_async_copy(ones_v, z_sp.at[didx_v.at[j]], ssem).wait()
        return carry

    lax.fori_loop(GPH - DEG_LAG, GPH, dstep, 0)
    plsc.subcore_barrier()
    pltpu.sync_copy(z_sp.at[pl.ds(r0, RPT)],
                    degp_hbm.at[pl.ds(pl.multiple_of(c * NPAD + r0, 8), RPT)])


@functools.cache
def _deg_kernel():
    return pl.kernel(
        _deg_body,
        out_type=jax.ShapeDtypeStruct((2 * NPAD, FH), jnp.float32),
        mesh=_mesh(),
        scratch_types=[
            pltpu.VMEM((GPH, 128), jnp.int32),
            pltpu.VMEM((128, FH), jnp.float32),
            pltpu.VMEM_SHARED((NPAD, FH), jnp.float32),
            pltpu.SemaphoreType.DMA,
        ],
    )


GCH = 40


def _propagate_body(y_hbm, src_hbm, dst_hbm, z_hbm, sidx_v, didx_v, rows_v, z_sp,
                    gsem, ssem):
    c = lax.axis_index("c")
    s = lax.axis_index("s")
    r0 = s * RPT
    yb = pl.multiple_of(c * NPAD + r0, 8)

    pltpu.sync_copy(y_hbm.at[pl.ds(yb, RPT)], z_sp.at[pl.ds(r0, RPT)])
    plsc.subcore_barrier()

    def chunk(k, carry):
        g0 = pl.multiple_of(s * GPT + k * GCH, 8)
        pltpu.sync_copy(src_hbm.at[pl.ds(c, 1), pl.ds(g0, GCH)], sidx_v)
        pltpu.sync_copy(dst_hbm.at[pl.ds(g0, GCH)], didx_v)

        pltpu.async_copy(y_hbm.at[sidx_v.at[0, 0]], rows_v.at[0], gsem)

        def step(j, carry2):
            cur = j % 2
            nxt = (j + 1) % 2
            pltpu.make_async_copy(
                y_hbm.at[sidx_v.at[0, j]], rows_v.at[cur], gsem).wait()

            @pl.when(j >= 1)
            def _():
                pltpu.make_async_copy(
                    rows_v.at[nxt], z_sp.at[didx_v.at[j - 1]], ssem.at[nxt]).wait()

            @pl.when(j + 1 < GCH)
            def _():
                pltpu.async_copy(y_hbm.at[sidx_v.at[0, j + 1]], rows_v.at[nxt], gsem)

            pltpu.async_copy(rows_v.at[cur], z_sp.at[didx_v.at[j]],
                             ssem.at[cur], add=True)
            return carry2

        lax.fori_loop(0, GCH, step, carry)
        last = (GCH - 1) % 2
        pltpu.make_async_copy(
            rows_v.at[last], z_sp.at[didx_v.at[GCH - 1]], ssem.at[last]).wait()
        return carry

    lax.fori_loop(0, GPT // GCH, chunk, 0)
    plsc.subcore_barrier()
    pltpu.sync_copy(z_sp.at[pl.ds(r0, RPT)], z_hbm.at[pl.ds(yb, RPT)])


@functools.cache
def _propagate_kernel():
    return pl.kernel(
        _propagate_body,
        out_type=jax.ShapeDtypeStruct((2 * NPAD, FH), jnp.float32),
        mesh=_mesh(),
        scratch_types=[
            pltpu.VMEM((1, GCH, 128), jnp.int32),
            pltpu.VMEM((GCH, 128), jnp.int32),
            pltpu.VMEM((2, 128, FH), jnp.float32),
            pltpu.VMEM_SHARED((NPAD, FH), jnp.float32),
            pltpu.SemaphoreType.DMA,
            pltpu.SemaphoreType.DMA((2,)),
        ],
    )


def _tca_body(x_ref, w_ref, deg0_ref, deg1_ref, y_ref, dinv_ref):
    dinv = lax.rsqrt(deg0_ref[:, :1] + deg1_ref[:, :1])
    y = jnp.dot(x_ref[...], w_ref[...], preferred_element_type=jnp.float32)
    y = y * dinv
    y_ref[0] = y[:, :FH]
    y_ref[1] = y[:, FH:]
    dinv_ref[...] = dinv


def _tcb_body(z_ref, dinv_ref, b_ref, w_ref, h_ref, y_ref):
    dinv = dinv_ref[...]
    h0 = jnp.maximum(z_ref[0] * dinv + b_ref[0], 0.0)
    h1 = jnp.maximum(z_ref[1] * dinv + b_ref[1], 0.0)
    h_ref[0] = h0
    h_ref[1] = h1
    hf = jnp.concatenate([h0, h1], axis=1)
    y = jnp.dot(hf, w_ref[...], preferred_element_type=jnp.float32) * dinv
    y_ref[0] = y[:, :FH]
    y_ref[1] = y[:, FH:]


def _tcc_body(z_ref, dinv_ref, b_ref, h1_ref, h2_ref, wout_ref, bout_ref, out_ref):
    dinv = dinv_ref[...]
    h30 = jnp.maximum(z_ref[0] * dinv + b_ref[0], 0.0)
    h31 = jnp.maximum(z_ref[1] * dinv + b_ref[1], 0.0)
    jk0 = jnp.maximum(jnp.maximum(h1_ref[0], h2_ref[0]), h30)
    jk1 = jnp.maximum(jnp.maximum(h1_ref[1], h2_ref[1]), h31)
    acc = jnp.sum(jk0 * wout_ref[0, :, 0][None, :], axis=1, keepdims=True)
    acc = acc + jnp.sum(jk1 * wout_ref[1, :, 0][None, :], axis=1, keepdims=True)
    out_ref[...] = acc + bout_ref[0, 0]


def _half_spec():
    return pl.BlockSpec((2, BM, FH), lambda i: (0, i, 0))


def _full_spec(shape):
    return pl.BlockSpec(shape, lambda i: (0,) * len(shape))


def _tca(x, w1, degp):
    return pl.pallas_call(
        _tca_body,
        grid=(GRID_M,),
        in_specs=[
            pl.BlockSpec((BM, 128), lambda i: (i, 0)),
            _full_spec((128, 256)),
            pl.BlockSpec((BM, FH), lambda i: (i, 0)),
            pl.BlockSpec((BM, FH), lambda i: (i + GRID_M, 0)),
        ],
        out_specs=[_half_spec(), pl.BlockSpec((BM, 1), lambda i: (i, 0))],
        out_shape=[
            jax.ShapeDtypeStruct((2, NPAD, FH), jnp.float32),
            jax.ShapeDtypeStruct((NPAD, 1), jnp.float32),
        ],
    )(x, w1, degp, degp)


def _tcb(z, dinv, b, w):
    return pl.pallas_call(
        _tcb_body,
        grid=(GRID_M,),
        in_specs=[
            _half_spec(),
            pl.BlockSpec((BM, 1), lambda i: (i, 0)),
            _full_spec((2, 1, FH)),
            _full_spec((256, 256)),
        ],
        out_specs=[_half_spec(), _half_spec()],
        out_shape=[
            jax.ShapeDtypeStruct((2, NPAD, FH), jnp.float32),
            jax.ShapeDtypeStruct((2, NPAD, FH), jnp.float32),
        ],
    )(z, dinv, b, w)


def _tcc(z, dinv, b, h1, h2, wout, bout):
    return pl.pallas_call(
        _tcc_body,
        grid=(GRID_M,),
        in_specs=[
            _half_spec(),
            pl.BlockSpec((BM, 1), lambda i: (i, 0)),
            _full_spec((2, 1, FH)),
            _half_spec(),
            _half_spec(),
            _full_spec((2, FH, 1)),
            _full_spec((1, 1)),
        ],
        out_specs=[pl.BlockSpec((BM, 1), lambda i: (i, 0))],
        out_shape=[jax.ShapeDtypeStruct((NPAD, 1), jnp.float32)],
    )(z, dinv, b, h1, h2, wout, bout)[0]


def kernel(x, edge_index, W1, b1, W2, b2, W3, b3, Wout, bout):
    src = edge_index[0].astype(jnp.int32)
    dst = edge_index[1].astype(jnp.int32)
    pad = jnp.full((EPAD - E,), N, jnp.int32)
    src_p = jnp.concatenate([src, pad]).reshape(NGRP, 128)
    dst_p = jnp.concatenate([dst, pad]).reshape(NGRP, 128)
    src2 = jnp.stack([src_p, src_p + NPAD])

    xp = jnp.zeros((NPAD, 128), jnp.float32).at[:N].set(x)

    prop = _propagate_kernel()

    deg_init = jnp.concatenate([
        jnp.ones((RPT, FH), jnp.float32),
        jnp.zeros((RPT, FH), jnp.float32),
    ])
    deg = _deg_kernel()(dst_p, deg_init)

    b1r = b1.reshape(2, 1, FH)
    b2r = b2.reshape(2, 1, FH)
    b3r = b3.reshape(2, 1, FH)
    woutr = Wout.reshape(2, FH, 1)
    boutr = bout.reshape(1, 1)

    y1, dinv = _tca(xp, W1, deg)
    z1 = prop(y1.reshape(2 * NPAD, FH), src2, dst_p).reshape(2, NPAD, FH)
    h1, y2 = _tcb(z1, dinv, b1r, W2)
    z2 = prop(y2.reshape(2 * NPAD, FH), src2, dst_p).reshape(2, NPAD, FH)
    h2, y3 = _tcb(z2, dinv, b2r, W3)
    z3 = prop(y3.reshape(2 * NPAD, FH), src2, dst_p).reshape(2, NPAD, FH)
    out = _tcc(z3, dinv, b3r, h1, h2, woutr, boutr)
    return out[:N, 0]

# --- scband reference (transcript-rebuilt; emitter-appended) ---
"""Pipeline reference for scband-jknet-node-regressor-68659347194261 (READ-ONLY COPY).

The authoritative reference and input builder live on the scoring server;
editing this copy changes nothing except your own understanding.
"""

import jax, jax.numpy as jnp
import numpy as np

N_NODES = 10000


def gcn_conv(x, src, dst, W, b):
    n = x.shape[0]
    xw = x @ W
    deg = jnp.zeros((n,), dtype=x.dtype).at[dst].add(1.0)
    dinv = 1.0 / jnp.sqrt(jnp.clip(deg, 1.0))
    norm = dinv[src] * dinv[dst]
    msg = xw[src] * norm[:, None]
    out = jnp.zeros((n, W.shape[1]), dtype=x.dtype).at[dst].add(msg)
    return out + b


def setup_inputs(seed: int = 0) -> dict:
    key = jax.random.key(seed)
    ks = jax.random.split(key, 12)
    x = jax.random.normal(ks[0], (N_NODES, 128), dtype=jnp.float32)
    edge_index = jax.random.randint(ks[1], (2, 320000), 0, N_NODES, dtype=jnp.int64)
    def glorot(k, fan_in, fan_out):
        lim = jnp.sqrt(6.0 / (fan_in + fan_out))
        return jax.random.uniform(k, (fan_in, fan_out), dtype=jnp.float32, minval=-lim, maxval=lim)
    W1 = glorot(ks[2], 128, 256)
    b1 = jnp.zeros((256,), dtype=jnp.float32)
    W2 = glorot(ks[3], 256, 256)
    b2 = jnp.zeros((256,), dtype=jnp.float32)
    W3 = glorot(ks[4], 256, 256)
    b3 = jnp.zeros((256,), dtype=jnp.float32)
    Wout = glorot(ks[5], 256, 1)
    bout = jnp.zeros((1,), dtype=jnp.float32)
    return {"x": x, "edge_index": edge_index, "W1": W1, "b1": b1, "W2": W2, "b2": b2, "W3": W3, "b3": b3, "Wout": Wout, "bout": bout}


def reference(x, edge_index, W1, b1, W2, b2, W3, b3, Wout, bout):
    n = x.shape[0]
    loop = jnp.arange(n, dtype=edge_index.dtype)
    src = jnp.concatenate([edge_index[0], loop])
    dst = jnp.concatenate([edge_index[1], loop])
    h1 = jax.nn.relu(gcn_conv(x, src, dst, W1, b1))
    h2 = jax.nn.relu(gcn_conv(h1, src, dst, W2, b2))
    h3 = jax.nn.relu(gcn_conv(h2, src, dst, W3, b3))
    jk = jnp.max(jnp.stack([h1, h2, h3], axis=0), axis=0)
    out = jk @ Wout + bout
    return out.squeeze(-1)

if __name__ == "__main__":
    import jax
    _d = setup_inputs()
    print(jax.jit(kernel)(*tuple(_d.values())))

</pallas_src>

<mosaic_0001>
#map = affine_map<(d0, d1) -> (0, 0)>
#map1 = affine_map<(d0, d1) -> (0, 0, 0)>
module attributes {stable_mosaic.version = 14 : i64} {
  func.func @_propagate_body(%arg0: i32, %arg1: i32, %arg2: memref<20480x128xf32, #tpu.memory_space<hbm>>, %arg3: memref<2x2560x128xi32, #tpu.memory_space<hbm>>, %arg4: memref<2560x128xi32, #tpu.memory_space<hbm>>, %arg5: memref<20480x128xf32, #tpu.memory_space<hbm>>, %arg6: memref<1x40x128xi32, #tpu.memory_space<vmem>>, %arg7: memref<40x128xi32, #tpu.memory_space<vmem>>, %arg8: memref<2x128x128xf32, #tpu.memory_space<vmem>>, %arg9: memref<10240x128xf32, #tpu.memory_space<vmem_shared>>, %arg10: memref<!tpu.dma_semaphore, #tpu.memory_space<semaphore_mem>>, %arg11: memref<2x!tpu.dma_semaphore, #tpu.memory_space<semaphore_mem>>) attributes {dimension_semantics = [#tpu.dimension_semantics<core_parallel>, #tpu.dimension_semantics<subcore_parallel>], iteration_bounds = array<i64: 2, 16>, scalar_prefetch = 0 : i64, scratch_operands = 6 : i64, tpu.core_type = #tpu.core_type<sc_vector_subcore>, window_params = [{transform_indices = #map}, {transform_indices = #map1}, {transform_indices = #map}, {transform_indices = #map}]} {
    %mul3A = arith.constant 640 : i32
    %mul3A_0 = arith.muli %arg1, %mul3A : i32
    %mul3A_1 = arith.constant 10240 : i32
    %mul3A_2 = arith.muli %arg0, %mul3A_1 : i32
    %add3A = arith.addi %mul3A_2, %mul3A_0 : i32
    %multiple_of3A = tpu.assume_multiple %add3A, 8 : i32
    "tpu.region"() ({
      %run_scoped3A = tpu.sem_alloc : memref<!tpu.dma_semaphore, #tpu.memory_space<semaphore_mem>>
      %dma_start3A = arith.constant 0 : i32
      %dma_start3A_9 = tpu.memref_slice %arg9[%mul3A_0, %dma_start3A] : memref<10240x128xf32, #tpu.memory_space<vmem_shared>> -> memref<640x128xf32, #tpu.memory_space<vmem_shared>>
      %dma_start3A_10 = arith.constant 0 : i32
      %dma_start3A_11 = tpu.memref_slice %arg2[%multiple_of3A, %dma_start3A_10] : memref<20480x128xf32, #tpu.memory_space<hbm>> -> memref<640x128xf32, #tpu.memory_space<hbm>>
      tpu.enqueue_dma source(%dma_start3A_11 : memref<640x128xf32, #tpu.memory_space<hbm>>) target(%dma_start3A_9 : memref<640x128xf32, #tpu.memory_space<vmem_shared>>) target_semaphore(%run_scoped3A : memref<!tpu.dma_semaphore, #tpu.memory_space<semaphore_mem>>)
      %dma_wait3A = arith.constant 0 : i32
      %dma_wait3A_12 = tpu.memref_slice %arg9[%mul3A_0, %dma_wait3A] : memref<10240x128xf32, #tpu.memory_space<vmem_shared>> -> memref<640x128xf32, #tpu.memory_space<vmem_shared>>
      %dma_wait3A_13 = arith.constant 0 : i32
      %dma_wait3A_14 = tpu.memref_slice %arg2[%multiple_of3A, %dma_wait3A_13] : memref<20480x128xf32, #tpu.memory_space<hbm>> -> memref<640x128xf32, #tpu.memory_space<hbm>>
      tpu.wait_dma2 semaphore(%run_scoped3A : memref<!tpu.dma_semaphore, #tpu.memory_space<semaphore_mem>>) src(%dma_wait3A_14 : memref<640x128xf32, #tpu.memory_space<hbm>>) dst(%dma_wait3A_12 : memref<640x128xf32, #tpu.memory_space<vmem_shared>>)
      tpu.yield
    }) : () -> ()
    %barrier3A = arith.constant 0 : index
    tpu.barrier barrier_id(%barrier3A)
    %scan3A = arith.constant 0 : i32
    %scan3A_3 = arith.constant 0 : i32
    %scan3A_4 = arith.constant 4 : i32
    %scan3A_5 = arith.addi %scan3A_3, %scan3A_4 : i32
    %scan3A_6 = arith.constant 1 : i32
    scf.for %scan3A_9 = %scan3A_3 to %scan3A_5 step %scan3A_6  : i32 {
      %mul3A_10 = arith.constant 160 : i32
      %mul3A_11 = arith.muli %arg1, %mul3A_10 : i32
      %mul3A_12 = arith.constant 40 : i32
      %mul3A_13 = arith.muli %scan3A_9, %mul3A_12 : i32
      %add3A_14 = arith.addi %mul3A_11, %mul3A_13 : i32
      %multiple_of3A_15 = tpu.assume_multiple %add3A_14, 8 : i32
      "tpu.region"() ({
        %run_scoped3A = tpu.sem_alloc : memref<!tpu.dma_semaphore, #tpu.memory_space<semaphore_mem>>
        %dma_start3A_47 = arith.constant 0 : i32
        %dma_start3A_48 = tpu.memref_slice %arg3[%arg0, %multiple_of3A_15, %dma_start3A_47] : memref<2x2560x128xi32, #tpu.memory_space<hbm>> -> memref<1x40x128xi32, #tpu.memory_space<hbm>>
        %dma_start3A_49 = arith.constant 0 : i32
        %dma_start3A_50 = tpu.memref_slice %arg3[%arg0, %multiple_of3A_15, %dma_start3A_49] : memref<2x2560x128xi32, #tpu.memory_space<hbm>> -> memref<1x40x128xi32, #tpu.memory_space<hbm>>
        tpu.enqueue_dma source(%dma_start3A_50 : memref<1x40x128xi32, #tpu.memory_space<hbm>>) target(%arg6 : memref<1x40x128xi32, #tpu.memory_space<vmem>>) target_semaphore(%run_scoped3A : memref<!tpu.dma_semaphore, #tpu.memory_space<semaphore_mem>>)
        %dma_wait3A_51 = arith.constant 0 : i32
        %dma_wait3A_52 = tpu.memref_slice %arg3[%arg0, %multiple_of3A_15, %dma_wait3A_51] : memref<2x2560x128xi32, #tpu.memory_space<hbm>> -> memref<1x40x128xi32, #tpu.memory_space<hbm>>
        %dma_wait3A_53 = arith.constant 0 : i32
        %dma_wait3A_54 = tpu.memref_slice %arg3[%arg0, %multiple_of3A_15, %dma_wait3A_53] : memref<2x2560x128xi32, #tpu.memory_space<hbm>> -> memref<1x40x128xi32, #tpu.memory_space<hbm>>
        tpu.wait_dma2 semaphore(%run_scoped3A : memref<!tpu.dma_semaphore, #tpu.memory_space<semaphore_mem>>) src(%dma_wait3A_54 : memref<1x40x128xi32, #tpu.memory_space<hbm>>) dst(%arg6 : memref<1x40x128xi32, #tpu.memory_space<vmem>>)
        tpu.yield
      }) : () -> ()
      "tpu.region"() ({
        %run_scoped3A = tpu.sem_alloc : memref<!tpu.dma_semaphore, #tpu.memory_space<semaphore_mem>>
        %dma_start3A_47 = arith.constant 0 : i32
        %dma_start3A_48 = tpu.memref_slice %arg4[%multiple_of3A_15, %dma_start3A_47] : memref<2560x128xi32, #tpu.memory_space<hbm>> -> memref<40x128xi32, #tpu.memory_space<hbm>>
        %dma_start3A_49 = arith.constant 0 : i32
        %dma_start3A_50 = tpu.memref_slice %arg4[%multiple_of3A_15, %dma_start3A_49] : memref<2560x128xi32, #tpu.memory_space<hbm>> -> memref<40x128xi32, #tpu.memory_space<hbm>>
        tpu.enqueue_dma source(%dma_start3A_50 : memref<40x128xi32, #tpu.memory_space<hbm>>) target(%arg7 : memref<40x128xi32, #tpu.memory_space<vmem>>) target_semaphore(%run_scoped3A : memref<!tpu.dma_semaphore, #tpu.memory_space<semaphore_mem>>)
        %dma_wait3A_51 = arith.constant 0 : i32
        %dma_wait3A_52 = tpu.memref_slice %arg4[%multiple_of3A_15, %dma_wait3A_51] : memref<2560x128xi32, #tpu.memory_space<hbm>> -> memref<40x128xi32, #tpu.memory_space<hbm>>
        %dma_wait3A_53 = arith.constant 0 : i32
        %dma_wait3A_54 = tpu.memref_slice %arg4[%multiple_of3A_15, %dma_wait3A_53] : memref<2560x128xi32, #tpu.memory_space<hbm>> -> memref<40x128xi32, #tpu.memory_space<hbm>>
        tpu.wait_dma2 semaphore(%run_scoped3A : memref<!tpu.dma_semaphore, #tpu.memory_space<semaphore_mem>>) src(%dma_wait3A_54 : memref<40x128xi32, #tpu.memory_space<hbm>>) dst(%arg7 : memref<40x128xi32, #tpu.memory_space<vmem>>)
        tpu.yield
      }) : () -> ()
      %dma_start3A = arith.constant 0 : i32
      %dma_start3A_16 = arith.constant 0 : i32
      %dma_start3A_17 = arith.constant 0 : i32
      %dma_start3A_18 = arith.constant 0 : i32
      %dma_start3A_19 = arith.constant 0 : i32
      %dma_start3A_20 = tpu.memref_slice %arg8[%dma_start3A_17, %dma_start3A_18, %dma_start3A_19] : memref<2x128x128xf32, #tpu.memory_space<vmem>> -> memref<1x128x128xf32, #tpu.memory_space<vmem>>
      %dma_start3A_21 = tpu.memref_squeeze %dma_start3A_20 : memref<1x128x128xf32, #tpu.memory_space<vmem>> -> memref<128x128xf32, #tpu.memory_space<vmem>>
      %dma_start3A_22 = arith.constant 0 : i32
      %dma_start3A_23 = tpu.memref_slice %arg6[%dma_start3A, %dma_start3A_16, %dma_start3A_22] : memref<1x40x128xi32, #tpu.memory_space<vmem>> -> memref<1x1x128xi32, #tpu.memory_space<vmem>>
      %dma_start3A_24 = tpu.memref_squeeze %dma_start3A_23 : memref<1x1x128xi32, #tpu.memory_space<vmem>> -> memref<128xi32, #tpu.memory_space<vmem>>
      %dma_start3A_25 = arith.constant 0 : i32
      %dma_start3A_26 = arith.constant 0 : i32
      %dma_start3A_27 = tpu.memref_slice %arg2[%dma_start3A_25, %dma_start3A_26] : memref<20480x128xf32, #tpu.memory_space<hbm>> -> memref<20480x128xf32, #tpu.memory_space<hbm>>
      tpu.enqueue_indirect_dma source(%dma_start3A_27 : memref<20480x128xf32, #tpu.memory_space<hbm>>) target(%dma_start3A_21 : memref<128x128xf32, #tpu.memory_space<vmem>>) offsets(%dma_start3A_24 : memref<128xi32, #tpu.memory_space<vmem>>) semaphore(%arg10 : memref<!tpu.dma_semaphore, #tpu.memory_space<semaphore_mem>>)
      %scan3A_28 = arith.constant 0 : i32
      %scan3A_29 = arith.constant 40 : i32
      %scan3A_30 = arith.addi %scan3A_28, %scan3A_29 : i32
      %scan3A_31 = arith.constant 1 : i32
      scf.for %scan3A_47 = %scan3A_28 to %scan3A_30 step %scan3A_31  : i32 {
        %jit3A = arith.constant 2 : i32
        %eq3A = arith.constant 0 : i32
        %eq3A_48 = arith.cmpi eq, %jit3A, %eq3A : i32
        %jit3A_49 = arith.constant 1 : i32
        %select_n3A = arith.select %eq3A_48, %jit3A_49, %jit3A : i32
        %rem3A = arith.remsi %scan3A_47, %select_n3A : i32
        %ne3A = arith.constant 0 : i32
        %ne3A_50 = arith.cmpi ne, %rem3A, %ne3A : i32
        %lt3A = arith.constant 0 : i32
        %lt3A_51 = arith.cmpi slt, %rem3A, %lt3A : i32
        %lt3A_52 = arith.constant 0 : i32
        %lt3A_53 = arith.cmpi slt, %select_n3A, %lt3A_52 : i32
        %ne3A_54 = arith.xori %lt3A_51, %lt3A_53 : i1
        %and3A = arith.andi %ne3A_54, %ne3A_50 : i1
        %add3A_55 = arith.addi %rem3A, %select_n3A : i32
        %select_n3A_56 = arith.select %and3A, %add3A_55, %rem3A : i32
        %add3A_57 = arith.constant 1 : i32
        %add3A_58 = arith.addi %scan3A_47, %add3A_57 : i32
        %jit3A_59 = arith.constant 2 : i32
        %eq3A_60 = arith.constant 0 : i32
        %eq3A_61 = arith.cmpi eq, %jit3A_59, %eq3A_60 : i32
        %jit3A_62 = arith.constant 1 : i32
        %select_n3A_63 = arith.select %eq3A_61, %jit3A_62, %jit3A_59 : i32
        %rem3A_64 = arith.remsi %add3A_58, %select_n3A_63 : i32
        %ne3A_65 = arith.constant 0 : i32
        %ne3A_66 = arith.cmpi ne, %rem3A_64, %ne3A_65 : i32
        %lt3A_67 = arith.constant 0 : i32
        %lt3A_68 = arith.cmpi slt, %rem3A_64, %lt3A_67 : i32
        %lt3A_69 = arith.constant 0 : i32
        %lt3A_70 = arith.cmpi slt, %select_n3A_63, %lt3A_69 : i32
        %ne3A_71 = arith.xori %lt3A_68, %lt3A_70 : i1
        %and3A_72 = arith.andi %ne3A_71, %ne3A_66 : i1
        %add3A_73 = arith.addi %rem3A_64, %select_n3A_63 : i32
        %select_n3A_74 = arith.select %and3A_72, %add3A_73, %rem3A_64 : i32
        %dma_wait3A_75 = arith.constant 0 : i32
        %dma_wait3A_76 = arith.constant 0 : i32
        %dma_wait3A_77 = arith.constant 0 : i32
        %dma_wait3A_78 = tpu.memref_slice %arg8[%select_n3A_56, %dma_wait3A_76, %dma_wait3A_77] : memref<2x128x128xf32, #tpu.memory_space<vmem>> -> memref<1x128x128xf32, #tpu.memory_space<vmem>>
        %dma_wait3A_79 = tpu.memref_squeeze %dma_wait3A_78 : memref<1x128x128xf32, #tpu.memory_space<vmem>> -> memref<128x128xf32, #tpu.memory_space<vmem>>
        %dma_wait3A_80 = arith.constant 0 : i32
        %dma_wait3A_81 = tpu.memref_slice %arg6[%dma_wait3A_75, %scan3A_47, %dma_wait3A_80] : memref<1x40x128xi32, #tpu.memory_space<vmem>> -> memref<1x1x128xi32, #tpu.memory_space<vmem>>
        %dma_wait3A_82 = tpu.memref_squeeze %dma_wait3A_81 : memref<1x1x128xi32, #tpu.memory_space<vmem>> -> memref<128xi32, #tpu.memory_space<vmem>>
        %dma_wait3A_83 = arith.constant 0 : i32
        %dma_wait3A_84 = arith.constant 0 : i32
        %dma_wait3A_85 = tpu.memref_slice %arg2[%dma_wait3A_83, %dma_wait3A_84] : memref<20480x128xf32, #tpu.memory_space<hbm>> -> memref<20480x128xf32, #tpu.memory_space<hbm>>
        tpu.wait_indirect_dma semaphore(%arg10 : memref<!tpu.dma_semaphore, #tpu.memory_space<semaphore_mem>>) src(%dma_wait3A_85 : memref<20480x128xf32, #tpu.memory_space<hbm>>) dst(%dma_wait3A_79 : memref<128x128xf32, #tpu.memory_space<vmem>>)
        %ge3A = arith.constant 1 : i32
        %ge3A_86 = arith.cmpi sge, %scan3A_47, %ge3A : i32
        %convert_element_type3A = arith.extui %ge3A_86 : i1 to i32
        %cond3A = arith.constant 0 : i32
        %cond3A_87 = arith.cmpi ne, %convert_element_type3A, %cond3A : i32
        scf.if %cond3A_87 {
          %sub3A = arith.constant 1 : i32
          %sub3A_107 = arith.subi %scan3A_47, %sub3A : i32
          %dma_wait3A_108 = arith.constant 0 : i32
          %dma_wait3A_109 = arith.constant 0 : i32
          %dma_wait3A_110 = tpu.memref_slice %arg8[%select_n3A_74, %dma_wait3A_108, %dma_wait3A_109] : memref<2x128x128xf32, #tpu.memory_space<vmem>> -> memref<1x128x128xf32, #tpu.memory_space<vmem>>
          %dma_wait3A_111 = tpu.memref_squeeze %dma_wait3A_110 : memref<1x128x128xf32, #tpu.memory_space<vmem>> -> memref<128x128xf32, #tpu.memory_space<vmem>>
          %dma_wait3A_112 = arith.constant 0 : i32
          %dma_wait3A_113 = tpu.memref_slice %arg7[%sub3A_107, %dma_wait3A_112] : memref<40x128xi32, #tpu.memory_space<vmem>> -> memref<1x128xi32, #tpu.memory_space<vmem>>
          %dma_wait3A_114 = tpu.memref_squeeze %dma_wait3A_113 : memref<1x128xi32, #tpu.memory_space<vmem>> -> memref<128xi32, #tpu.memory_space<vmem>>
          %dma_wait3A_115 = arith.constant 0 : i32
          %dma_wait3A_116 = arith.constant 0 : i32
          %dma_wait3A_117 = tpu.memref_slice %arg9[%dma_wait3A_115, %dma_wait3A_116] : memref<10240x128xf32, #tpu.memory_space<vmem_shared>> -> memref<10240x128xf32, #tpu.memory_space<vmem_shared>>
          %dma_wait3A_118 = tpu.memref_slice %arg11[%select_n3A_74] : memref<2x!tpu.dma_semaphore, #tpu.memory_space<semaphore_mem>> -> memref<1x!tpu.dma_semaphore, #tpu.memory_space<semaphore_mem>>
          %dma_wait3A_119 = tpu.memref_squeeze %dma_wait3A_118 : memref<1x!tpu.dma_semaphore, #tpu.memory_space<semaphore_mem>> -> memref<!tpu.dma_semaphore, #tpu.memory_space<semaphore_mem>>
          tpu.wait_indirect_dma semaphore(%dma_wait3A_119 : memref<!tpu.dma_semaphore, #tpu.memory_space<semaphore_mem>>) src(%dma_wait3A_111 : memref<128x128xf32, #tpu.memory_space<vmem>>) dst(%dma_wait3A_117 : memref<10240x128xf32, #tpu.memory_space<vmem_shared>>)
        } else {
        }
        %add3A_88 = arith.constant 1 : i32
        %add3A_89 = arith.addi %scan3A_47, %add3A_88 : i32
        %lt3A_90 = arith.constant 40 : i32
        %lt3A_91 = arith.cmpi slt, %add3A_89, %lt3A_90 : i32
        %convert_element_type3A_92 = arith.extui %lt3A_91 : i1 to i32
        %cond3A_93 = arith.constant 0 : i32
        %cond3A_94 = arith.cmpi ne, %convert_element_type3A_92, %cond3A_93 : i32
        scf.if %cond3A_94 {
          %add3A_107 = arith.constant 1 : i32
          %add3A_108 = arith.addi %scan3A_47, %add3A_107 : i32
          %dma_start3A_109 = arith.constant 0 : i32
          %dma_start3A_110 = arith.constant 0 : i32
          %dma_start3A_111 = arith.constant 0 : i32
          %dma_start3A_112 = tpu.memref_slice %arg8[%select_n3A_74, %dma_start3A_110, %dma_start3A_111] : memref<2x128x128xf32, #tpu.memory_space<vmem>> -> memref<1x128x128xf32, #tpu.memory_space<vmem>>
          %dma_start3A_113 = tpu.memref_squeeze %dma_start3A_112 : memref<1x128x128xf32, #tpu.memory_space<vmem>> -> memref<128x128xf32, #tpu.memory_space<vmem>>
          %dma_start3A_114 = arith.constant 0 : i32
          %dma_start3A_115 = tpu.memref_slice %arg6[%dma_start3A_109, %add3A_108, %dma_start3A_114] : memref<1x40x128xi32, #tpu.memory_space<vmem>> -> memref<1x1x128xi32, #tpu.memory_space<vmem>>
          %dma_start3A_116 = tpu.memref_squeeze %dma_start3A_115 : memref<1x1x128xi32, #tpu.memory_space<vmem>> -> memref<128xi32, #tpu.memory_space<vmem>>
          %dma_start3A_117 = arith.constant 0 : i32
          %dma_start3A_118 = arith.constant 0 : i32
          %dma_start3A_119 = tpu.memref_slice %arg2[%dma_start3A_117, %dma_start3A_118] : memref<20480x128xf32, #tpu.memory_space<hbm>> -> memref<20480x128xf32, #tpu.memory_space<hbm>>
          tpu.enqueue_indirect_dma source(%dma_start3A_119 : memref<20480x128xf32, #tpu.memory_space<hbm>>) target(%dma_start3A_113 : memref<128x128xf32, #tpu.memory_space<vmem>>) offsets(%dma_start3A_116 : memref<128xi32, #tpu.memory_space<vmem>>) semaphore(%arg10 : memref<!tpu.dma_semaphore, #tpu.memory_space<semaphore_mem>>)
        } else {
        }
        %dma_start3A_95 = arith.constant 0 : i32
        %dma_start3A_96 = arith.constant 0 : i32
        %dma_start3A_97 = tpu.memref_slice %arg8[%select_n3A_56, %dma_start3A_95, %dma_start3A_96] : memref<2x128x128xf32, #tpu.memory_space<vmem>> -> memref<1x128x128xf32, #tpu.memory_space<vmem>>
        %dma_start3A_98 = tpu.memref_squeeze %dma_start3A_97 : memref<1x128x128xf32, #tpu.memory_space<vmem>> -> memref<128x128xf32, #tpu.memory_space<vmem>>
        %dma_start3A_99 = arith.constant 0 : i32
        %dma_start3A_100 = tpu.memref_slice %arg7[%scan3A_47, %dma_start3A_99] : memref<40x128xi32, #tpu.memory_space<vmem>> -> memref<1x128xi32, #tpu.memory_space<vmem>>
        %dma_start3A_101 = tpu.memref_squeeze %dma_start3A_100 : memref<1x128xi32, #tpu.memory_space<vmem>> -> memref<128xi32, #tpu.memory_space<vmem>>
        %dma_start3A_102 = arith.constant 0 : i32
        %dma_start3A_103 = arith.constant 0 : i32
        %dma_start3A_104 = tpu.memref_slice %arg9[%dma_start3A_102, %dma_start3A_103] : memref<10240x128xf32, #tpu.memory_space<vmem_shared>> -> memref<10240x128xf32, #tpu.memory_space<vmem_shared>>
        %dma_start3A_105 = tpu.memref_slice %arg11[%select_n3A_56] : memref<2x!tpu.dma_semaphore, #tpu.memory_space<semaphore_mem>> -> memref<1x!tpu.dma_semaphore, #tpu.memory_space<semaphore_mem>>
        %dma_start3A_106 = tpu.memref_squeeze %dma_start3A_105 : memref<1x!tpu.dma_semaphore, #tpu.memory_space<semaphore_mem>> -> memref<!tpu.dma_semaphore, #tpu.memory_space<semaphore_mem>>
        tpu.enqueue_indirect_dma source(%dma_start3A_98 : memref<128x128xf32, #tpu.memory_space<vmem>>) target(%dma_start3A_104 : memref<10240x128xf32, #tpu.memory_space<vmem_shared>>) offsets(%dma_start3A_101 : memref<128xi32, #tpu.memory_space<vmem>>) semaphore(%dma_start3A_106 : memref<!tpu.dma_semaphore, #tpu.memory_space<semaphore_mem>>) {add = true}
      }
      %scan3A_32 = arith.constant 40 : i32
      %dma_wait3A = arith.constant 1 : i32
      %dma_wait3A_33 = arith.constant 39 : i32
      %dma_wait3A_34 = arith.constant 1 : i32
      %dma_wait3A_35 = arith.constant 0 : i32
      %dma_wait3A_36 = arith.constant 0 : i32
      %dma_wait3A_37 = tpu.memref_slice %arg8[%dma_wait3A, %dma_wait3A_35, %dma_wait3A_36] : memref<2x128x128xf32, #tpu.memory_space<vmem>> -> memref<1x128x128xf32, #tpu.memory_space<vmem>>
      %dma_wait3A_38 = tpu.memref_squeeze %dma_wait3A_37 : memref<1x128x128xf32, #tpu.memory_space<vmem>> -> memref<128x128xf32, #tpu.memory_space<vmem>>
      %dma_wait3A_39 = arith.constant 0 : i32
      %dma_wait3A_40 = tpu.memref_slice %arg7[%dma_wait3A_33, %dma_wait3A_39] : memref<40x128xi32, #tpu.memory_space<vmem>> -> memref<1x128xi32, #tpu.memory_space<vmem>>
      %dma_wait3A_41 = tpu.memref_squeeze %dma_wait3A_40 : memref<1x128xi32, #tpu.memory_space<vmem>> -> memref<128xi32, #tpu.memory_space<vmem>>
      %dma_wait3A_42 = arith.constant 0 : i32
      %dma_wait3A_43 = arith.constant 0 : i32
      %dma_wait3A_44 = tpu.memref_slice %arg9[%dma_wait3A_42, %dma_wait3A_43] : memref<10240x128xf32, #tpu.memory_space<vmem_shared>> -> memref<10240x128xf32, #tpu.memory_space<vmem_shared>>
      %dma_wait3A_45 = tpu.memref_slice %arg11[%dma_wait3A_34] : memref<2x!tpu.dma_semaphore, #tpu.memory_space<semaphore_mem>> -> memref<1x!tpu.dma_semaphore, #tpu.memory_space<semaphore_mem>>
      %dma_wait3A_46 = tpu.memref_squeeze %dma_wait3A_45 : memref<1x!tpu.dma_semaphore, #tpu.memory_space<semaphore_mem>> -> memref<!tpu.dma_semaphore, #tpu.memory_space<semaphore_mem>>
      tpu.wait_indirect_dma semaphore(%dma_wait3A_46 : memref<!tpu.dma_semaphore, #tpu.memory_space<semaphore_mem>>) src(%dma_wait3A_38 : memref<128x128xf32, #tpu.memory_space<vmem>>) dst(%dma_wait3A_44 : memref<10240x128xf32, #tpu.memory_space<vmem_shared>>)
    }
    %scan3A_7 = arith.constant 4 : i32
    %barrier3A_8 = arith.constant 0 : index
    tpu.barrier barrier_id(%barrier3A_8)
    "tpu.region"() ({
      %run_scoped3A = tpu.sem_alloc : memref<!tpu.dma_semaphore, #tpu.memory_space<semaphore_mem>>
      %dma_start3A = arith.constant 0 : i32
      %dma_start3A_9 = tpu.memref_slice %arg5[%multiple_of3A, %dma_start3A] : memref<20480x128xf32, #tpu.memory_space<hbm>> -> memref<640x128xf32, #tpu.memory_space<hbm>>
      %dma_start3A_10 = arith.constant 0 : i32
      %dma_start3A_11 = tpu.memref_slice %arg9[%mul3A_0, %dma_start3A_10] : memref<10240x128xf32, #tpu.memory_space<vmem_shared>> -> memref<640x128xf32, #tpu.memory_space<vmem_shared>>
      tpu.enqueue_dma source(%dma_start3A_11 : memref<640x128xf32, #tpu.memory_space<vmem_shared>>) target(%dma_start3A_9 : memref<640x128xf32, #tpu.memory_space<hbm>>) target_semaphore(%run_scoped3A : memref<!tpu.dma_semaphore, #tpu.memory_space<semaphore_mem>>)
      %dma_wait3A = arith.constant 0 : i32
      %dma_wait3A_12 = tpu.memref_slice %arg5[%multiple_of3A, %dma_wait3A] : memref<20480x128xf32, #tpu.memory_space<hbm>> -> memref<640x128xf32, #tpu.memory_space<hbm>>
      %dma_wait3A_13 = arith.constant 0 : i32
      %dma_wait3A_14 = tpu.memref_slice %arg9[%mul3A_0, %dma_wait3A_13] : memref<10240x128xf32, #tpu.memory_space<vmem_shared>> -> memref<640x128xf32, #tpu.memory_space<vmem_shared>>
      tpu.wait_dma2 semaphore(%run_scoped3A : memref<!tpu.dma_semaphore, #tpu.memory_space<semaphore_mem>>) src(%dma_wait3A_14 : memref<640x128xf32, #tpu.memory_space<vmem_shared>>) dst(%dma_wait3A_12 : memref<640x128xf32, #tpu.memory_space<hbm>>)
      tpu.yield
    }) : () -> ()
    return
  }
}

#map = affine_map<(d0, d1) -> (0, 0)>
module attributes {stable_mosaic.version = 14 : i64} {
  func.func @_deg_body(%arg0: i32, %arg1: i32, %arg2: memref<2560x128xi32, #tpu.memory_space<hbm>>, %arg3: memref<1280x128xf32, #tpu.memory_space<hbm>>, %arg4: memref<20480x128xf32, #tpu.memory_space<hbm>>, %arg5: memref<80x128xi32, #tpu.memory_space<vmem>>, %arg6: memref<128x128xf32, #tpu.memory_space<vmem>>, %arg7: memref<10240x128xf32, #tpu.memory_space<vmem_shared>>, %arg8: memref<!tpu.dma_semaphore, #tpu.memory_space<semaphore_mem>>) attributes {dimension_semantics = [#tpu.dimension_semantics<core_parallel>, #tpu.dimension_semantics<subcore_parallel>], iteration_bounds = array<i64: 2, 16>, scalar_prefetch = 0 : i64, scratch_operands = 4 : i64, tpu.core_type = #tpu.core_type<sc_vector_subcore>, window_params = [{transform_indices = #map}, {transform_indices = #map}, {transform_indices = #map}]} {
    %mul3A = arith.constant 640 : i32
    %mul3A_0 = arith.muli %arg1, %mul3A : i32
    %mul3A_1 = arith.constant 640 : i32
    %mul3A_2 = arith.muli %arg0, %mul3A_1 : i32
    %multiple_of3A = tpu.assume_multiple %mul3A_2, 8 : i32
    "tpu.region"() ({
      %run_scoped3A = tpu.sem_alloc : memref<!tpu.dma_semaphore, #tpu.memory_space<semaphore_mem>>
      %dma_start3A = arith.constant 0 : i32
      %dma_start3A_24 = tpu.memref_slice %arg7[%mul3A_0, %dma_start3A] : memref<10240x128xf32, #tpu.memory_space<vmem_shared>> -> memref<640x128xf32, #tpu.memory_space<vmem_shared>>
      %dma_start3A_25 = arith.constant 0 : i32
      %dma_start3A_26 = tpu.memref_slice %arg3[%multiple_of3A, %dma_start3A_25] : memref<1280x128xf32, #tpu.memory_space<hbm>> -> memref<640x128xf32, #tpu.memory_space<hbm>>
      tpu.enqueue_dma source(%dma_start3A_26 : memref<640x128xf32, #tpu.memory_space<hbm>>) target(%dma_start3A_24 : memref<640x128xf32, #tpu.memory_space<vmem_shared>>) target_semaphore(%run_scoped3A : memref<!tpu.dma_semaphore, #tpu.memory_space<semaphore_mem>>)
      %dma_wait3A = arith.constant 0 : i32
      %dma_wait3A_27 = tpu.memref_slice %arg7[%mul3A_0, %dma_wait3A] : memref<10240x128xf32, #tpu.memory_space<vmem_shared>> -> memref<640x128xf32, #tpu.memory_space<vmem_shared>>
      %dma_wait3A_28 = arith.constant 0 : i32
      %dma_wait3A_29 = tpu.memref_slice %arg3[%multiple_of3A, %dma_wait3A_28] : memref<1280x128xf32, #tpu.memory_space<hbm>> -> memref<640x128xf32, #tpu.memory_space<hbm>>
      tpu.wait_dma2 semaphore(%run_scoped3A : memref<!tpu.dma_semaphore, #tpu.memory_space<semaphore_mem>>) src(%dma_wait3A_29 : memref<640x128xf32, #tpu.memory_space<hbm>>) dst(%dma_wait3A_27 : memref<640x128xf32, #tpu.memory_space<vmem_shared>>)
      tpu.yield
    }) : () -> ()
    "tpu.region"() ({
      %run_scoped3A = tpu.sem_alloc : memref<!tpu.dma_semaphore, #tpu.memory_space<semaphore_mem>>
      %dma_start3A = arith.constant 0 : i32
      %dma_start3A_24 = arith.constant 0 : i32
      %dma_start3A_25 = tpu.memref_slice %arg3[%dma_start3A, %dma_start3A_24] : memref<1280x128xf32, #tpu.memory_space<hbm>> -> memref<128x128xf32, #tpu.memory_space<hbm>>
      %dma_start3A_26 = arith.constant 0 : i32
      %dma_start3A_27 = arith.constant 0 : i32
      %dma_start3A_28 = tpu.memref_slice %arg3[%dma_start3A_26, %dma_start3A_27] : memref<1280x128xf32, #tpu.memory_space<hbm>> -> memref<128x128xf32, #tpu.memory_space<hbm>>
      tpu.enqueue_dma source(%dma_start3A_28 : memref<128x128xf32, #tpu.memory_space<hbm>>) target(%arg6 : memref<128x128xf32, #tpu.memory_space<vmem>>) target_semaphore(%run_scoped3A : memref<!tpu.dma_semaphore, #tpu.memory_space<semaphore_mem>>)
      %dma_wait3A = arith.constant 0 : i32
      %dma_wait3A_29 = arith.constant 0 : i32
      %dma_wait3A_30 = tpu.memref_slice %arg3[%dma_wait3A, %dma_wait3A_29] : memref<1280x128xf32, #tpu.memory_space<hbm>> -> memref<128x128xf32, #tpu.memory_space<hbm>>
      %dma_wait3A_31 = arith.constant 0 : i32
      %dma_wait3A_32 = arith.constant 0 : i32
      %dma_wait3A_33 = tpu.memref_slice %arg3[%dma_wait3A_31, %dma_wait3A_32] : memref<1280x128xf32, #tpu.memory_space<hbm>> -> memref<128x128xf32, #tpu.memory_space<hbm>>
      tpu.wait_dma2 semaphore(%run_scoped3A : memref<!tpu.dma_semaphore, #tpu.memory_space<semaphore_mem>>) src(%dma_wait3A_33 : memref<128x128xf32, #tpu.memory_space<hbm>>) dst(%arg6 : memref<128x128xf32, #tpu.memory_space<vmem>>)
      tpu.yield
    }) : () -> ()
    %mul3A_3 = arith.constant 1280 : i32
    %mul3A_4 = arith.muli %arg0, %mul3A_3 : i32
    %mul3A_5 = arith.constant 80 : i32
    %mul3A_6 = arith.muli %arg1, %mul3A_5 : i32
    %add3A = arith.addi %mul3A_4, %mul3A_6 : i32
    %multiple_of3A_7 = tpu.assume_multiple %add3A, 8 : i32
    "tpu.region"() ({
      %run_scoped3A = tpu.sem_alloc : memref<!tpu.dma_semaphore, #tpu.memory_space<semaphore_mem>>
      %dma_start3A = arith.constant 0 : i32
      %dma_start3A_24 = tpu.memref_slice %arg2[%multiple_of3A_7, %dma_start3A] : memref<2560x128xi32, #tpu.memory_space<hbm>> -> memref<80x128xi32, #tpu.memory_space<hbm>>
      %dma_start3A_25 = arith.constant 0 : i32
      %dma_start3A_26 = tpu.memref_slice %arg2[%multiple_of3A_7, %dma_start3A_25] : memref<2560x128xi32, #tpu.memory_space<hbm>> -> memref<80x128xi32, #tpu.memory_space<hbm>>
      tpu.enqueue_dma source(%dma_start3A_26 : memref<80x128xi32, #tpu.memory_space<hbm>>) target(%arg5 : memref<80x128xi32, #tpu.memory_space<vmem>>) target_semaphore(%run_scoped3A : memref<!tpu.dma_semaphore, #tpu.memory_space<semaphore_mem>>)
      %dma_wait3A = arith.constant 0 : i32
      %dma_wait3A_27 = tpu.memref_slice %arg2[%multiple_of3A_7, %dma_wait3A] : memref<2560x128xi32, #tpu.memory_space<hbm>> -> memref<80x128xi32, #tpu.memory_space<hbm>>
      %dma_wait3A_28 = arith.constant 0 : i32
      %dma_wait3A_29 = tpu.memref_slice %arg2[%multiple_of3A_7, %dma_wait3A_28] : memref<2560x128xi32, #tpu.memory_space<hbm>> -> memref<80x128xi32, #tpu.memory_space<hbm>>
      tpu.wait_dma2 semaphore(%run_scoped3A : memref<!tpu.dma_semaphore, #tpu.memory_space<semaphore_mem>>) src(%dma_wait3A_29 : memref<80x128xi32, #tpu.memory_space<hbm>>) dst(%arg5 : memref<80x128xi32, #tpu.memory_space<vmem>>)
      tpu.yield
    }) : () -> ()
    %barrier3A = arith.constant 0 : index
    tpu.barrier barrier_id(%barrier3A)
    %scan3A = arith.constant 0 : i32
    %scan3A_8 = arith.constant 0 : i32
    %scan3A_9 = arith.constant 80 : i32
    %scan3A_10 = arith.addi %scan3A_8, %scan3A_9 : i32
    %scan3A_11 = arith.constant 1 : i32
    scf.for %scan3A_24 = %scan3A_8 to %scan3A_10 step %scan3A_11  : i32 {
      %dma_start3A = arith.constant 0 : i32
      %dma_start3A_25 = tpu.memref_slice %arg5[%scan3A_24, %dma_start3A] : memref<80x128xi32, #tpu.memory_space<vmem>> -> memref<1x128xi32, #tpu.memory_space<vmem>>
      %dma_start3A_26 = tpu.memref_squeeze %dma_start3A_25 : memref<1x128xi32, #tpu.memory_space<vmem>> -> memref<128xi32, #tpu.memory_space<vmem>>
      %dma_start3A_27 = arith.constant 0 : i32
      %dma_start3A_28 = arith.constant 0 : i32
      %dma_start3A_29 = tpu.memref_slice %arg7[%dma_start3A_27, %dma_start3A_28] : memref<10240x128xf32, #tpu.memory_space<vmem_shared>> -> memref<10240x128xf32, #tpu.memory_space<vmem_shared>>
      tpu.enqueue_indirect_dma source(%arg6 : memref<128x128xf32, #tpu.memory_space<vmem>>) target(%dma_start3A_29 : memref<10240x128xf32, #tpu.memory_space<vmem_shared>>) offsets(%dma_start3A_26 : memref<128xi32, #tpu.memory_space<vmem>>) semaphore(%arg8 : memref<!tpu.dma_semaphore, #tpu.memory_space<semaphore_mem>>) {add = true}
      %ge3A = arith.constant 8 : i32
      %ge3A_30 = arith.cmpi sge, %scan3A_24, %ge3A : i32
      %convert_element_type3A = arith.extui %ge3A_30 : i1 to i32
      %cond3A = arith.constant 0 : i32
      %cond3A_31 = arith.cmpi ne, %convert_element_type3A, %cond3A : i32
      scf.if %cond3A_31 {
        %sub3A = arith.constant 8 : i32
        %sub3A_32 = arith.subi %scan3A_24, %sub3A : i32
        %dma_wait3A = arith.constant 0 : i32
        %dma_wait3A_33 = tpu.memref_slice %arg5[%sub3A_32, %dma_wait3A] : memref<80x128xi32, #tpu.memory_space<vmem>> -> memref<1x128xi32, #tpu.memory_space<vmem>>
        %dma_wait3A_34 = tpu.memref_squeeze %dma_wait3A_33 : memref<1x128xi32, #tpu.memory_space<vmem>> -> memref<128xi32, #tpu.memory_space<vmem>>
        %dma_wait3A_35 = arith.constant 0 : i32
        %dma_wait3A_36 = arith.constant 0 : i32
        %dma_wait3A_37 = tpu.memref_slice %arg7[%dma_wait3A_35, %dma_wait3A_36] : memref<10240x128xf32, #tpu.memory_space<vmem_shared>> -> memref<10240x128xf32, #tpu.memory_space<vmem_shared>>
        tpu.wait_indirect_dma semaphore(%arg8 : memref<!tpu.dma_semaphore, #tpu.memory_space<semaphore_mem>>) src(%arg6 : memref<128x128xf32, #tpu.memory_space<vmem>>) dst(%dma_wait3A_37 : memref<10240x128xf32, #tpu.memory_space<vmem_shared>>)
      } else {
      }
    }
    %scan3A_12 = arith.constant 80 : i32
    %scan3A_13 = arith.constant 0 : i32
    %scan3A_14 = arith.constant 72 : i32
    %scan3A_15 = arith.constant 8 : i32
    %scan3A_16 = arith.addi %scan3A_14, %scan3A_15 : i32
    %scan3A_17 = arith.constant 1 : i32
    scf.for %scan3A_24 = %scan3A_14 to %scan3A_16 step %scan3A_17  : i32 {
      %dma_wait3A = arith.constant 0 : i32
      %dma_wait3A_25 = tpu.memref_slice %arg5[%scan3A_24, %dma_wait3A] : memref<80x128xi32, #tpu.memory_space<vmem>> -> memref<1x128xi32, #tpu.memory_space<vmem>>
      %dma_wait3A_26 = tpu.memref_squeeze %dma_wait3A_25 : memref<1x128xi32, #tpu.memory_space<vmem>> -> memref<128xi32, #tpu.memory_space<vmem>>
      %dma_wait3A_27 = arith.constant 0 : i32
      %dma_wait3A_28 = arith.constant 0 : i32
      %dma_wait3A_29 = tpu.memref_slice %arg7[%dma_wait3A_27, %dma_wait3A_28] : memref<10240x128xf32, #tpu.memory_space<vmem_shared>> -> memref<10240x128xf32, #tpu.memory_space<vmem_shared>>
      tpu.wait_indirect_dma semaphore(%arg8 : memref<!tpu.dma_semaphore, #tpu.memory_space<semaphore_mem>>) src(%arg6 : memref<128x128xf32, #tpu.memory_space<vmem>>) dst(%dma_wait3A_29 : memref<10240x128xf32, #tpu.memory_space<vmem_shared>>)
    }
    %scan3A_18 = arith.constant 8 : i32
    %barrier3A_19 = arith.constant 0 : index
    tpu.barrier barrier_id(%barrier3A_19)
    %mul3A_20 = arith.constant 10240 : i32
    %mul3A_21 = arith.muli %arg0, %mul3A_20 : i32
    %add3A_22 = arith.addi %mul3A_21, %mul3A_0 : i32
    %multiple_of3A_23 = tpu.assume_multiple %add3A_22, 8 : i32
    "tpu.region"() ({
      %run_scoped3A = tpu.sem_alloc : memref<!tpu.dma_semaphore, #tpu.memory_space<semaphore_mem>>
      %dma_start3A = arith.constant 0 : i32
      %dma_start3A_24 = tpu.memref_slice %arg4[%multiple_of3A_23, %dma_start3A] : memref<20480x128xf32, #tpu.memory_space<hbm>> -> memref<640x128xf32, #tpu.memory_space<hbm>>
      %dma_start3A_25 = arith.constant 0 : i32
      %dma_start3A_26 = tpu.memref_slice %arg7[%mul3A_0, %dma_start3A_25] : memref<10240x128xf32, #tpu.memory_space<vmem_shared>> -> memref<640x128xf32, #tpu.memory_space<vmem_shared>>
      tpu.enqueue_dma source(%dma_start3A_26 : memref<640x128xf32, #tpu.memory_space<vmem_shared>>) target(%dma_start3A_24 : memref<640x128xf32, #tpu.memory_space<hbm>>) target_semaphore(%run_scoped3A : memref<!tpu.dma_semaphore, #tpu.memory_space<semaphore_mem>>)
      %dma_wait3A = arith.constant 0 : i32
      %dma_wait3A_27 = tpu.memref_slice %arg4[%multiple_of3A_23, %dma_wait3A] : memref<20480x128xf32, #tpu.memory_space<hbm>> -> memref<640x128xf32, #tpu.memory_space<hbm>>
      %dma_wait3A_28 = arith.constant 0 : i32
      %dma_wait3A_29 = tpu.memref_slice %arg7[%mul3A_0, %dma_wait3A_28] : memref<10240x128xf32, #tpu.memory_space<vmem_shared>> -> memref<640x128xf32, #tpu.memory_space<vmem_shared>>
      tpu.wait_dma2 semaphore(%run_scoped3A : memref<!tpu.dma_semaphore, #tpu.memory_space<semaphore_mem>>) src(%dma_wait3A_29 : memref<640x128xf32, #tpu.memory_space<vmem_shared>>) dst(%dma_wait3A_27 : memref<640x128xf32, #tpu.memory_space<hbm>>)
      tpu.yield
    }) : () -> ()
    return
  }
}

#map = affine_map<(d0, d1) -> (0, 0)>
#map1 = affine_map<(d0, d1) -> (0, 0, 0)>
module attributes {stable_mosaic.version = 14 : i64} {
  func.func @_propagate_body(%arg0: i32, %arg1: i32, %arg2: memref<20480x128xf32, #tpu.memory_space<hbm>>, %arg3: memref<2x2560x128xi32, #tpu.memory_space<hbm>>, %arg4: memref<2560x128xi32, #tpu.memory_space<hbm>>, %arg5: memref<20480x128xf32, #tpu.memory_space<hbm>>, %arg6: memref<1x40x128xi32, #tpu.memory_space<vmem>>, %arg7: memref<40x128xi32, #tpu.memory_space<vmem>>, %arg8: memref<2x128x128xf32, #tpu.memory_space<vmem>>, %arg9: memref<10240x128xf32, #tpu.memory_space<vmem_shared>>, %arg10: memref<!tpu.dma_semaphore, #tpu.memory_space<semaphore_mem>>, %arg11: memref<2x!tpu.dma_semaphore, #tpu.memory_space<semaphore_mem>>) attributes {dimension_semantics = [#tpu.dimension_semantics<core_parallel>, #tpu.dimension_semantics<subcore_parallel>], iteration_bounds = array<i64: 2, 16>, scalar_prefetch = 0 : i64, scratch_operands = 6 : i64, tpu.core_type = #tpu.core_type<sc_vector_subcore>, window_params = [{transform_indices = #map}, {transform_indices = #map1}, {transform_indices = #map}, {transform_indices = #map}]} {
    %mul3A = arith.constant 640 : i32
    %mul3A_0 = arith.muli %arg1, %mul3A : i32
    %mul3A_1 = arith.constant 10240 : i32
    %mul3A_2 = arith.muli %arg0, %mul3A_1 : i32
    %add3A = arith.addi %mul3A_2, %mul3A_0 : i32
    %multiple_of3A = tpu.assume_multiple %add3A, 8 : i32
    "tpu.region"() ({
      %run_scoped3A = tpu.sem_alloc : memref<!tpu.dma_semaphore, #tpu.memory_space<semaphore_mem>>
      %dma_start3A = arith.constant 0 : i32
      %dma_start3A_9 = tpu.memref_slice %arg9[%mul3A_0, %dma_start3A] : memref<10240x128xf32, #tpu.memory_space<vmem_shared>> -> memref<640x128xf32, #tpu.memory_space<vmem_shared>>
      %dma_start3A_10 = arith.constant 0 : i32
      %dma_start3A_11 = tpu.memref_slice %arg2[%multiple_of3A, %dma_start3A_10] : memref<20480x128xf32, #tpu.memory_space<hbm>> -> memref<640x128xf32, #tpu.memory_space<hbm>>
      tpu.enqueue_dma source(%dma_start3A_11 : memref<640x128xf32, #tpu.memory_space<hbm>>) target(%dma_start3A_9 : memref<640x128xf32, #tpu.memory_space<vmem_shared>>) target_semaphore(%run_scoped3A : memref<!tpu.dma_semaphore, #tpu.memory_space<semaphore_mem>>)
      %dma_wait3A = arith.constant 0 : i32
      %dma_wait3A_12 = tpu.memref_slice %arg9[%mul3A_0, %dma_wait3A] : memref<10240x128xf32, #tpu.memory_space<vmem_shared>> -> memref<640x128xf32, #tpu.memory_space<vmem_shared>>
      %dma_wait3A_13 = arith.constant 0 : i32
      %dma_wait3A_14 = tpu.memref_slice %arg2[%multiple_of3A, %dma_wait3A_13] : memref<20480x128xf32, #tpu.memory_space<hbm>> -> memref<640x128xf32, #tpu.memory_space<hbm>>
      tpu.wait_dma2 semaphore(%run_scoped3A : memref<!tpu.dma_semaphore, #tpu.memory_space<semaphore_mem>>) src(%dma_wait3A_14 : memref<640x128xf32, #tpu.memory_space<hbm>>) dst(%dma_wait3A_12 : memref<640x128xf32, #tpu.memory_space<vmem_shared>>)
      tpu.yield
    }) : () -> ()
    %barrier3A = arith.constant 0 : index
    tpu.barrier barrier_id(%barrier3A)
    %scan3A = arith.constant 0 : i32
    %scan3A_3 = arith.constant 0 : i32
    %scan3A_4 = arith.constant 4 : i32
    %scan3A_5 = arith.addi %scan3A_3, %scan3A_4 : i32
    %scan3A_6 = arith.constant 1 : i32
    scf.for %scan3A_9 = %scan3A_3 to %scan3A_5 step %scan3A_6  : i32 {
      %mul3A_10 = arith.constant 160 : i32
      %mul3A_11 = arith.muli %arg1, %mul3A_10 : i32
      %mul3A_12 = arith.constant 40 : i32
      %mul3A_13 = arith.muli %scan3A_9, %mul3A_12 : i32
      %add3A_14 = arith.addi %mul3A_11, %mul3A_13 : i32
      %multiple_of3A_15 = tpu.assume_multiple %add3A_14, 8 : i32
      "tpu.region"() ({
        %run_scoped3A = tpu.sem_alloc : memref<!tpu.dma_semaphore, #tpu.memory_space<semaphore_mem>>
        %dma_start3A_47 = arith.constant 0 : i32
        %dma_start3A_48 = tpu.memref_slice %arg3[%arg0, %multiple_of3A_15, %dma_start3A_47] : memref<2x2560x128xi32, #tpu.memory_space<hbm>> -> memref<1x40x128xi32, #tpu.memory_space<hbm>>
        %dma_start3A_49 = arith.constant 0 : i32
        %dma_start3A_50 = tpu.memref_slice %arg3[%arg0, %multiple_of3A_15, %dma_start3A_49] : memref<2x2560x128xi32, #tpu.memory_space<hbm>> -> memref<1x40x128xi32, #tpu.memory_space<hbm>>
        tpu.enqueue_dma source(%dma_start3A_50 : memref<1x40x128xi32, #tpu.memory_space<hbm>>) target(%arg6 : memref<1x40x128xi32, #tpu.memory_space<vmem>>) target_semaphore(%run_scoped3A : memref<!tpu.dma_semaphore, #tpu.memory_space<semaphore_mem>>)
        %dma_wait3A_51 = arith.constant 0 : i32
        %dma_wait3A_52 = tpu.memref_slice %arg3[%arg0, %multiple_of3A_15, %dma_wait3A_51] : memref<2x2560x128xi32, #tpu.memory_space<hbm>> -> memref<1x40x128xi32, #tpu.memory_space<hbm>>
        %dma_wait3A_53 = arith.constant 0 : i32
        %dma_wait3A_54 = tpu.memref_slice %arg3[%arg0, %multiple_of3A_15, %dma_wait3A_53] : memref<2x2560x128xi32, #tpu.memory_space<hbm>> -> memref<1x40x128xi32, #tpu.memory_space<hbm>>
        tpu.wait_dma2 semaphore(%run_scoped3A : memref<!tpu.dma_semaphore, #tpu.memory_space<semaphore_mem>>) src(%dma_wait3A_54 : memref<1x40x128xi32, #tpu.memory_space<hbm>>) dst(%arg6 : memref<1x40x128xi32, #tpu.memory_space<vmem>>)
        tpu.yield
      }) : () -> ()
      "tpu.region"() ({
        %run_scoped3A = tpu.sem_alloc : memref<!tpu.dma_semaphore, #tpu.memory_space<semaphore_mem>>
        %dma_start3A_47 = arith.constant 0 : i32
        %dma_start3A_48 = tpu.memref_slice %arg4[%multiple_of3A_15, %dma_start3A_47] : memref<2560x128xi32, #tpu.memory_space<hbm>> -> memref<40x128xi32, #tpu.memory_space<hbm>>
        %dma_start3A_49 = arith.constant 0 : i32
        %dma_start3A_50 = tpu.memref_slice %arg4[%multiple_of3A_15, %dma_start3A_49] : memref<2560x128xi32, #tpu.memory_space<hbm>> -> memref<40x128xi32, #tpu.memory_space<hbm>>
        tpu.enqueue_dma source(%dma_start3A_50 : memref<40x128xi32, #tpu.memory_space<hbm>>) target(%arg7 : memref<40x128xi32, #tpu.memory_space<vmem>>) target_semaphore(%run_scoped3A : memref<!tpu.dma_semaphore, #tpu.memory_space<semaphore_mem>>)
        %dma_wait3A_51 = arith.constant 0 : i32
        %dma_wait3A_52 = tpu.memref_slice %arg4[%multiple_of3A_15, %dma_wait3A_51] : memref<2560x128xi32, #tpu.memory_space<hbm>> -> memref<40x128xi32, #tpu.memory_space<hbm>>
        %dma_wait3A_53 = arith.constant 0 : i32
        %dma_wait3A_54 = tpu.memref_slice %arg4[%multiple_of3A_15, %dma_wait3A_53] : memref<2560x128xi32, #tpu.memory_space<hbm>> -> memref<40x128xi32, #tpu.memory_space<hbm>>
        tpu.wait_dma2 semaphore(%run_scoped3A : memref<!tpu.dma_semaphore, #tpu.memory_space<semaphore_mem>>) src(%dma_wait3A_54 : memref<40x128xi32, #tpu.memory_space<hbm>>) dst(%arg7 : memref<40x128xi32, #tpu.memory_space<vmem>>)
        tpu.yield
      }) : () -> ()
      %dma_start3A = arith.constant 0 : i32
      %dma_start3A_16 = arith.constant 0 : i32
      %dma_start3A_17 = arith.constant 0 : i32
      %dma_start3A_18 = arith.constant 0 : i32
      %dma_start3A_19 = arith.constant 0 : i32
      %dma_start3A_20 = tpu.memref_slice %arg8[%dma_start3A_17, %dma_start3A_18, %dma_start3A_19] : memref<2x128x128xf32, #tpu.memory_space<vmem>> -> memref<1x128x128xf32, #tpu.memory_space<vmem>>
      %dma_start3A_21 = tpu.memref_squeeze %dma_start3A_20 : memref<1x128x128xf32, #tpu.memory_space<vmem>> -> memref<128x128xf32, #tpu.memory_space<vmem>>
      %dma_start3A_22 = arith.constant 0 : i32
      %dma_start3A_23 = tpu.memref_slice %arg6[%dma_start3A, %dma_start3A_16, %dma_start3A_22] : memref<1x40x128xi32, #tpu.memory_space<vmem>> -> memref<1x1x128xi32, #tpu.memory_space<vmem>>
      %dma_start3A_24 = tpu.memref_squeeze %dma_start3A_23 : memref<1x1x128xi32, #tpu.memory_space<vmem>> -> memref<128xi32, #tpu.memory_space<vmem>>
      %dma_start3A_25 = arith.constant 0 : i32
      %dma_start3A_26 = arith.constant 0 : i32
      %dma_start3A_27 = tpu.memref_slice %arg2[%dma_start3A_25, %dma_start3A_26] : memref<20480x128xf32, #tpu.memory_space<hbm>> -> memref<20480x128xf32, #tpu.memory_space<hbm>>
      tpu.enqueue_indirect_dma source(%dma_start3A_27 : memref<20480x128xf32, #tpu.memory_space<hbm>>) target(%dma_start3A_21 : memref<128x128xf32, #tpu.memory_space<vmem>>) offsets(%dma_start3A_24 : memref<128xi32, #tpu.memory_space<vmem>>) semaphore(%arg10 : memref<!tpu.dma_semaphore, #tpu.memory_space<semaphore_mem>>)
      %scan3A_28 = arith.constant 0 : i32
      %scan3A_29 = arith.constant 40 : i32
      %scan3A_30 = arith.addi %scan3A_28, %scan3A_29 : i32
      %scan3A_31 = arith.constant 1 : i32
      scf.for %scan3A_47 = %scan3A_28 to %scan3A_30 step %scan3A_31  : i32 {
        %jit3A = arith.constant 2 : i32
        %eq3A = arith.constant 0 : i32
        %eq3A_48 = arith.cmpi eq, %jit3A, %eq3A : i32
        %jit3A_49 = arith.constant 1 : i32
        %select_n3A = arith.select %eq3A_48, %jit3A_49, %jit3A : i32
        %rem3A = arith.remsi %scan3A_47, %select_n3A : i32
        %ne3A = arith.constant 0 : i32
        %ne3A_50 = arith.cmpi ne, %rem3A, %ne3A : i32
        %lt3A = arith.constant 0 : i32
        %lt3A_51 = arith.cmpi slt, %rem3A, %lt3A : i32
        %lt3A_52 = arith.constant 0 : i32
        %lt3A_53 = arith.cmpi slt, %select_n3A, %lt3A_52 : i32
        %ne3A_54 = arith.xori %lt3A_51, %lt3A_53 : i1
        %and3A = arith.andi %ne3A_54, %ne3A_50 : i1
        %add3A_55 = arith.addi %rem3A, %select_n3A : i32
        %select_n3A_56 = arith.select %and3A, %add3A_55, %rem3A : i32
        %add3A_57 = arith.constant 1 : i32
        %add3A_58 = arith.addi %scan3A_47, %add3A_57 : i32
        %jit3A_59 = arith.constant 2 : i32
        %eq3A_60 = arith.constant 0 : i32
        %eq3A_61 = arith.cmpi eq, %jit3A_59, %eq3A_60 : i32
        %jit3A_62 = arith.constant 1 : i32
        %select_n3A_63 = arith.select %eq3A_61, %jit3A_62, %jit3A_59 : i32
        %rem3A_64 = arith.remsi %add3A_58, %select_n3A_63 : i32
        %ne3A_65 = arith.constant 0 : i32
        %ne3A_66 = arith.cmpi ne, %rem3A_64, %ne3A_65 : i32
        %lt3A_67 = arith.constant 0 : i32
        %lt3A_68 = arith.cmpi slt, %rem3A_64, %lt3A_67 : i32
        %lt3A_69 = arith.constant 0 : i32
        %lt3A_70 = arith.cmpi slt, %select_n3A_63, %lt3A_69 : i32
        %ne3A_71 = arith.xori %lt3A_68, %lt3A_70 : i1
        %and3A_72 = arith.andi %ne3A_71, %ne3A_66 : i1
        %add3A_73 = arith.addi %rem3A_64, %select_n3A_63 : i32
        %select_n3A_74 = arith.select %and3A_72, %add3A_73, %rem3A_64 : i32
        %dma_wait3A_75 = arith.constant 0 : i32
        %dma_wait3A_76 = arith.constant 0 : i32
        %dma_wait3A_77 = arith.constant 0 : i32
        %dma_wait3A_78 = tpu.memref_slice %arg8[%select_n3A_56, %dma_wait3A_76, %dma_wait3A_77] : memref<2x128x128xf32, #tpu.memory_space<vmem>> -> memref<1x128x128xf32, #tpu.memory_space<vmem>>
        %dma_wait3A_79 = tpu.memref_squeeze %dma_wait3A_78 : memref<1x128x128xf32, #tpu.memory_space<vmem>> -> memref<128x128xf32, #tpu.memory_space<vmem>>
        %dma_wait3A_80 = arith.constant 0 : i32
        %dma_wait3A_81 = tpu.memref_slice %arg6[%dma_wait3A_75, %scan3A_47, %dma_wait3A_80] : memref<1x40x128xi32, #tpu.memory_space<vmem>> -> memref<1x1x128xi32, #tpu.memory_space<vmem>>
        %dma_wait3A_82 = tpu.memref_squeeze %dma_wait3A_81 : memref<1x1x128xi32, #tpu.memory_space<vmem>> -> memref<128xi32, #tpu.memory_space<vmem>>
        %dma_wait3A_83 = arith.constant 0 : i32
        %dma_wait3A_84 = arith.constant 0 : i32
        %dma_wait3A_85 = tpu.memref_slice %arg2[%dma_wait3A_83, %dma_wait3A_84] : memref<20480x128xf32, #tpu.memory_space<hbm>> -> memref<20480x128xf32, #tpu.memory_space<hbm>>
        tpu.wait_indirect_dma semaphore(%arg10 : memref<!tpu.dma_semaphore, #tpu.memory_space<semaphore_mem>>) src(%dma_wait3A_85 : memref<20480x128xf32, #tpu.memory_space<hbm>>) dst(%dma_wait3A_79 : memref<128x128xf32, #tpu.memory_space<vmem>>)
        %ge3A = arith.constant 1 : i32
        %ge3A_86 = arith.cmpi sge, %scan3A_47, %ge3A : i32
        %convert_element_type3A = arith.extui %ge3A_86 : i1 to i32
        %cond3A = arith.constant 0 : i32
        %cond3A_87 = arith.cmpi ne, %convert_element_type3A, %cond3A : i32
        scf.if %cond3A_87 {
          %sub3A = arith.constant 1 : i32
          %sub3A_107 = arith.subi %scan3A_47, %sub3A : i32
          %dma_wait3A_108 = arith.constant 0 : i32
          %dma_wait3A_109 = arith.constant 0 : i32
          %dma_wait3A_110 = tpu.memref_slice %arg8[%select_n3A_74, %dma_wait3A_108, %dma_wait3A_109] : memref<2x128x128xf32, #tpu.memory_space<vmem>> -> memref<1x128x128xf32, #tpu.memory_space<vmem>>
          %dma_wait3A_111 = tpu.memref_squeeze %dma_wait3A_110 : memref<1x128x128xf32, #tpu.memory_space<vmem>> -> memref<128x128xf32, #tpu.memory_space<vmem>>
          %dma_wait3A_112 = arith.constant 0 : i32
          %dma_wait3A_113 = tpu.memref_slice %arg7[%sub3A_107, %dma_wait3A_112] : memref<40x128xi32, #tpu.memory_space<vmem>> -> memref<1x128xi32, #tpu.memory_space<vmem>>
          %dma_wait3A_114 = tpu.memref_squeeze %dma_wait3A_113 : memref<1x128xi32, #tpu.memory_space<vmem>> -> memref<128xi32, #tpu.memory_space<vmem>>
          %dma_wait3A_115 = arith.constant 0 : i32
          %dma_wait3A_116 = arith.constant 0 : i32
          %dma_wait3A_117 = tpu.memref_slice %arg9[%dma_wait3A_115, %dma_wait3A_116] : memref<10240x128xf32, #tpu.memory_space<vmem_shared>> -> memref<10240x128xf32, #tpu.memory_space<vmem_shared>>
          %dma_wait3A_118 = tpu.memref_slice %arg11[%select_n3A_74] : memref<2x!tpu.dma_semaphore, #tpu.memory_space<semaphore_mem>> -> memref<1x!tpu.dma_semaphore, #tpu.memory_space<semaphore_mem>>
          %dma_wait3A_119 = tpu.memref_squeeze %dma_wait3A_118 : memref<1x!tpu.dma_semaphore, #tpu.memory_space<semaphore_mem>> -> memref<!tpu.dma_semaphore, #tpu.memory_space<semaphore_mem>>
          tpu.wait_indirect_dma semaphore(%dma_wait3A_119 : memref<!tpu.dma_semaphore, #tpu.memory_space<semaphore_mem>>) src(%dma_wait3A_111 : memref<128x128xf32, #tpu.memory_space<vmem>>) dst(%dma_wait3A_117 : memref<10240x128xf32, #tpu.memory_space<vmem_shared>>)
        } else {
        }
        %add3A_88 = arith.constant 1 : i32
        %add3A_89 = arith.addi %scan3A_47, %add3A_88 : i32
        %lt3A_90 = arith.constant 40 : i32
        %lt3A_91 = arith.cmpi slt, %add3A_89, %lt3A_90 : i32
        %convert_element_type3A_92 = arith.extui %lt3A_91 : i1 to i32
        %cond3A_93 = arith.constant 0 : i32
        %cond3A_94 = arith.cmpi ne, %convert_element_type3A_92, %cond3A_93 : i32
        scf.if %cond3A_94 {
          %add3A_107 = arith.constant 1 : i32
          %add3A_108 = arith.addi %scan3A_47, %add3A_107 : i32
          %dma_start3A_109 = arith.constant 0 : i32
          %dma_start3A_110 = arith.constant 0 : i32
          %dma_start3A_111 = arith.constant 0 : i32
          %dma_start3A_112 = tpu.memref_slice %arg8[%select_n3A_74, %dma_start3A_110, %dma_start3A_111] : memref<2x128x128xf32, #tpu.memory_space<vmem>> -> memref<1x128x128xf32, #tpu.memory_space<vmem>>
          %dma_start3A_113 = tpu.memref_squeeze %dma_start3A_112 : memref<1x128x128xf32, #tpu.memory_space<vmem>> -> memref<128x128xf32, #tpu.memory_space<vmem>>
          %dma_start3A_114 = arith.constant 0 : i32
          %dma_start3A_115 = tpu.memref_slice %arg6[%dma_start3A_109, %add3A_108, %dma_start3A_114] : memref<1x40x128xi32, #tpu.memory_space<vmem>> -> memref<1x1x128xi32, #tpu.memory_space<vmem>>
          %dma_start3A_116 = tpu.memref_squeeze %dma_start3A_115 : memref<1x1x128xi32, #tpu.memory_space<vmem>> -> memref<128xi32, #tpu.memory_space<vmem>>
          %dma_start3A_117 = arith.constant 0 : i32
          %dma_start3A_118 = arith.constant 0 : i32
          %dma_start3A_119 = tpu.memref_slice %arg2[%dma_start3A_117, %dma_start3A_118] : memref<20480x128xf32, #tpu.memory_space<hbm>> -> memref<20480x128xf32, #tpu.memory_space<hbm>>
          tpu.enqueue_indirect_dma source(%dma_start3A_119 : memref<20480x128xf32, #tpu.memory_space<hbm>>) target(%dma_start3A_113 : memref<128x128xf32, #tpu.memory_space<vmem>>) offsets(%dma_start3A_116 : memref<128xi32, #tpu.memory_space<vmem>>) semaphore(%arg10 : memref<!tpu.dma_semaphore, #tpu.memory_space<semaphore_mem>>)
        } else {
        }
        %dma_start3A_95 = arith.constant 0 : i32
        %dma_start3A_96 = arith.constant 0 : i32
        %dma_start3A_97 = tpu.memref_slice %arg8[%select_n3A_56, %dma_start3A_95, %dma_start3A_96] : memref<2x128x128xf32, #tpu.memory_space<vmem>> -> memref<1x128x128xf32, #tpu.memory_space<vmem>>
        %dma_start3A_98 = tpu.memref_squeeze %dma_start3A_97 : memref<1x128x128xf32, #tpu.memory_space<vmem>> -> memref<128x128xf32, #tpu.memory_space<vmem>>
        %dma_start3A_99 = arith.constant 0 : i32
        %dma_start3A_100 = tpu.memref_slice %arg7[%scan3A_47, %dma_start3A_99] : memref<40x128xi32, #tpu.memory_space<vmem>> -> memref<1x128xi32, #tpu.memory_space<vmem>>
        %dma_start3A_101 = tpu.memref_squeeze %dma_start3A_100 : memref<1x128xi32, #tpu.memory_space<vmem>> -> memref<128xi32, #tpu.memory_space<vmem>>
        %dma_start3A_102 = arith.constant 0 : i32
        %dma_start3A_103 = arith.constant 0 : i32
        %dma_start3A_104 = tpu.memref_slice %arg9[%dma_start3A_102, %dma_start3A_103] : memref<10240x128xf32, #tpu.memory_space<vmem_shared>> -> memref<10240x128xf32, #tpu.memory_space<vmem_shared>>
        %dma_start3A_105 = tpu.memref_slice %arg11[%select_n3A_56] : memref<2x!tpu.dma_semaphore, #tpu.memory_space<semaphore_mem>> -> memref<1x!tpu.dma_semaphore, #tpu.memory_space<semaphore_mem>>
        %dma_start3A_106 = tpu.memref_squeeze %dma_start3A_105 : memref<1x!tpu.dma_semaphore, #tpu.memory_space<semaphore_mem>> -> memref<!tpu.dma_semaphore, #tpu.memory_space<semaphore_mem>>
        tpu.enqueue_indirect_dma source(%dma_start3A_98 : memref<128x128xf32, #tpu.memory_space<vmem>>) target(%dma_start3A_104 : memref<10240x128xf32, #tpu.memory_space<vmem_shared>>) offsets(%dma_start3A_101 : memref<128xi32, #tpu.memory_space<vmem>>) semaphore(%dma_start3A_106 : memref<!tpu.dma_semaphore, #tpu.memory_space<semaphore_mem>>) {add = true}
      }
      %scan3A_32 = arith.constant 40 : i32
      %dma_wait3A = arith.constant 1 : i32
      %dma_wait3A_33 = arith.constant 39 : i32
      %dma_wait3A_34 = arith.constant 1 : i32
      %dma_wait3A_35 = arith.constant 0 : i32
      %dma_wait3A_36 = arith.constant 0 : i32
      %dma_wait3A_37 = tpu.memref_slice %arg8[%dma_wait3A, %dma_wait3A_35, %dma_wait3A_36] : memref<2x128x128xf32, #tpu.memory_space<vmem>> -> memref<1x128x128xf32, #tpu.memory_space<vmem>>
      %dma_wait3A_38 = tpu.memref_squeeze %dma_wait3A_37 : memref<1x128x128xf32, #tpu.memory_space<vmem>> -> memref<128x128xf32, #tpu.memory_space<vmem>>
      %dma_wait3A_39 = arith.constant 0 : i32
      %dma_wait3A_40 = tpu.memref_slice %arg7[%dma_wait3A_33, %dma_wait3A_39] : memref<40x128xi32, #tpu.memory_space<vmem>> -> memref<1x128xi32, #tpu.memory_space<vmem>>
      %dma_wait3A_41 = tpu.memref_squeeze %dma_wait3A_40 : memref<1x128xi32, #tpu.memory_space<vmem>> -> memref<128xi32, #tpu.memory_space<vmem>>
      %dma_wait3A_42 = arith.constant 0 : i32
      %dma_wait3A_43 = arith.constant 0 : i32
      %dma_wait3A_44 = tpu.memref_slice %arg9[%dma_wait3A_42, %dma_wait3A_43] : memref<10240x128xf32, #tpu.memory_space<vmem_shared>> -> memref<10240x128xf32, #tpu.memory_space<vmem_shared>>
      %dma_wait3A_45 = tpu.memref_slice %arg11[%dma_wait3A_34] : memref<2x!tpu.dma_semaphore, #tpu.memory_space<semaphore_mem>> -> memref<1x!tpu.dma_semaphore, #tpu.memory_space<semaphore_mem>>
      %dma_wait3A_46 = tpu.memref_squeeze %dma_wait3A_45 : memref<1x!tpu.dma_semaphore, #tpu.memory_space<semaphore_mem>> -> memref<!tpu.dma_semaphore, #tpu.memory_space<semaphore_mem>>
      tpu.wait_indirect_dma semaphore(%dma_wait3A_46 : memref<!tpu.dma_semaphore, #tpu.memory_space<semaphore_mem>>) src(%dma_wait3A_38 : memref<128x128xf32, #tpu.memory_space<vmem>>) dst(%dma_wait3A_44 : memref<10240x128xf32, #tpu.memory_space<vmem_shared>>)
    }
    %scan3A_7 = arith.constant 4 : i32
    %barrier3A_8 = arith.constant 0 : index
    tpu.barrier barrier_id(%barrier3A_8)
    "tpu.region"() ({
      %run_scoped3A = tpu.sem_alloc : memref<!tpu.dma_semaphore, #tpu.memory_space<semaphore_mem>>
      %dma_start3A = arith.constant 0 : i32
      %dma_start3A_9 = tpu.memref_slice %arg5[%multiple_of3A, %dma_start3A] : memref<20480x128xf32, #tpu.memory_space<hbm>> -> memref<640x128xf32, #tpu.memory_space<hbm>>
      %dma_start3A_10 = arith.constant 0 : i32
      %dma_start3A_11 = tpu.memref_slice %arg9[%mul3A_0, %dma_start3A_10] : memref<10240x128xf32, #tpu.memory_space<vmem_shared>> -> memref<640x128xf32, #tpu.memory_space<vmem_shared>>
      tpu.enqueue_dma source(%dma_start3A_11 : memref<640x128xf32, #tpu.memory_space<vmem_shared>>) target(%dma_start3A_9 : memref<640x128xf32, #tpu.memory_space<hbm>>) target_semaphore(%run_scoped3A : memref<!tpu.dma_semaphore, #tpu.memory_space<semaphore_mem>>)
      %dma_wait3A = arith.constant 0 : i32
      %dma_wait3A_12 = tpu.memref_slice %arg5[%multiple_of3A, %dma_wait3A] : memref<20480x128xf32, #tpu.memory_space<hbm>> -> memref<640x128xf32, #tpu.memory_space<hbm>>
      %dma_wait3A_13 = arith.constant 0 : i32
      %dma_wait3A_14 = tpu.memref_slice %arg9[%mul3A_0, %dma_wait3A_13] : memref<10240x128xf32, #tpu.memory_space<vmem_shared>> -> memref<640x128xf32, #tpu.memory_space<vmem_shared>>
      tpu.wait_dma2 semaphore(%run_scoped3A : memref<!tpu.dma_semaphore, #tpu.memory_space<semaphore_mem>>) src(%dma_wait3A_14 : memref<640x128xf32, #tpu.memory_space<vmem_shared>>) dst(%dma_wait3A_12 : memref<640x128xf32, #tpu.memory_space<hbm>>)
      tpu.yield
    }) : () -> ()
    return
  }
}

#map = affine_map<(d0, d1) -> (0, 0)>
#map1 = affine_map<(d0, d1) -> (0, 0, 0)>
module attributes {stable_mosaic.version = 14 : i64} {
  func.func @_propagate_body(%arg0: i32, %arg1: i32, %arg2: memref<20480x128xf32, #tpu.memory_space<hbm>>, %arg3: memref<2x2560x128xi32, #tpu.memory_space<hbm>>, %arg4: memref<2560x128xi32, #tpu.memory_space<hbm>>, %arg5: memref<20480x128xf32, #tpu.memory_space<hbm>>, %arg6: memref<1x40x128xi32, #tpu.memory_space<vmem>>, %arg7: memref<40x128xi32, #tpu.memory_space<vmem>>, %arg8: memref<2x128x128xf32, #tpu.memory_space<vmem>>, %arg9: memref<10240x128xf32, #tpu.memory_space<vmem_shared>>, %arg10: memref<!tpu.dma_semaphore, #tpu.memory_space<semaphore_mem>>, %arg11: memref<2x!tpu.dma_semaphore, #tpu.memory_space<semaphore_mem>>) attributes {dimension_semantics = [#tpu.dimension_semantics<core_parallel>, #tpu.dimension_semantics<subcore_parallel>], iteration_bounds = array<i64: 2, 16>, scalar_prefetch = 0 : i64, scratch_operands = 6 : i64, tpu.core_type = #tpu.core_type<sc_vector_subcore>, window_params = [{transform_indices = #map}, {transform_indices = #map1}, {transform_indices = #map}, {transform_indices = #map}]} {
    %mul3A = arith.constant 640 : i32
    %mul3A_0 = arith.muli %arg1, %mul3A : i32
    %mul3A_1 = arith.constant 10240 : i32
    %mul3A_2 = arith.muli %arg0, %mul3A_1 : i32
    %add3A = arith.addi %mul3A_2, %mul3A_0 : i32
    %multiple_of3A = tpu.assume_multiple %add3A, 8 : i32
    "tpu.region"() ({
      %run_scoped3A = tpu.sem_alloc : memref<!tpu.dma_semaphore, #tpu.memory_space<semaphore_mem>>
      %dma_start3A = arith.constant 0 : i32
      %dma_start3A_9 = tpu.memref_slice %arg9[%mul3A_0, %dma_start3A] : memref<10240x128xf32, #tpu.memory_space<vmem_shared>> -> memref<640x128xf32, #tpu.memory_space<vmem_shared>>
      %dma_start3A_10 = arith.constant 0 : i32
      %dma_start3A_11 = tpu.memref_slice %arg2[%multiple_of3A, %dma_start3A_10] : memref<20480x128xf32, #tpu.memory_space<hbm>> -> memref<640x128xf32, #tpu.memory_space<hbm>>
      tpu.enqueue_dma source(%dma_start3A_11 : memref<640x128xf32, #tpu.memory_space<hbm>>) target(%dma_start3A_9 : memref<640x128xf32, #tpu.memory_space<vmem_shared>>) target_semaphore(%run_scoped3A : memref<!tpu.dma_semaphore, #tpu.memory_space<semaphore_mem>>)
      %dma_wait3A = arith.constant 0 : i32
      %dma_wait3A_12 = tpu.memref_slice %arg9[%mul3A_0, %dma_wait3A] : memref<10240x128xf32, #tpu.memory_space<vmem_shared>> -> memref<640x128xf32, #tpu.memory_space<vmem_shared>>
      %dma_wait3A_13 = arith.constant 0 : i32
      %dma_wait3A_14 = tpu.memref_slice %arg2[%multiple_of3A, %dma_wait3A_13] : memref<20480x128xf32, #tpu.memory_space<hbm>> -> memref<640x128xf32, #tpu.memory_space<hbm>>
      tpu.wait_dma2 semaphore(%run_scoped3A : memref<!tpu.dma_semaphore, #tpu.memory_space<semaphore_mem>>) src(%dma_wait3A_14 : memref<640x128xf32, #tpu.memory_space<hbm>>) dst(%dma_wait3A_12 : memref<640x128xf32, #tpu.memory_space<vmem_shared>>)
      tpu.yield
    }) : () -> ()
    %barrier3A = arith.constant 0 : index
    tpu.barrier barrier_id(%barrier3A)
    %scan3A = arith.constant 0 : i32
    %scan3A_3 = arith.constant 0 : i32
    %scan3A_4 = arith.constant 4 : i32
    %scan3A_5 = arith.addi %scan3A_3, %scan3A_4 : i32
    %scan3A_6 = arith.constant 1 : i32
    scf.for %scan3A_9 = %scan3A_3 to %scan3A_5 step %scan3A_6  : i32 {
      %mul3A_10 = arith.constant 160 : i32
      %mul3A_11 = arith.muli %arg1, %mul3A_10 : i32
      %mul3A_12 = arith.constant 40 : i32
      %mul3A_13 = arith.muli %scan3A_9, %mul3A_12 : i32
      %add3A_14 = arith.addi %mul3A_11, %mul3A_13 : i32
      %multiple_of3A_15 = tpu.assume_multiple %add3A_14, 8 : i32
      "tpu.region"() ({
        %run_scoped3A = tpu.sem_alloc : memref<!tpu.dma_semaphore, #tpu.memory_space<semaphore_mem>>
        %dma_start3A_47 = arith.constant 0 : i32
        %dma_start3A_48 = tpu.memref_slice %arg3[%arg0, %multiple_of3A_15, %dma_start3A_47] : memref<2x2560x128xi32, #tpu.memory_space<hbm>> -> memref<1x40x128xi32, #tpu.memory_space<hbm>>
        %dma_start3A_49 = arith.constant 0 : i32
        %dma_start3A_50 = tpu.memref_slice %arg3[%arg0, %multiple_of3A_15, %dma_start3A_49] : memref<2x2560x128xi32, #tpu.memory_space<hbm>> -> memref<1x40x128xi32, #tpu.memory_space<hbm>>
        tpu.enqueue_dma source(%dma_start3A_50 : memref<1x40x128xi32, #tpu.memory_space<hbm>>) target(%arg6 : memref<1x40x128xi32, #tpu.memory_space<vmem>>) target_semaphore(%run_scoped3A : memref<!tpu.dma_semaphore, #tpu.memory_space<semaphore_mem>>)
        %dma_wait3A_51 = arith.constant 0 : i32
        %dma_wait3A_52 = tpu.memref_slice %arg3[%arg0, %multiple_of3A_15, %dma_wait3A_51] : memref<2x2560x128xi32, #tpu.memory_space<hbm>> -> memref<1x40x128xi32, #tpu.memory_space<hbm>>
        %dma_wait3A_53 = arith.constant 0 : i32
        %dma_wait3A_54 = tpu.memref_slice %arg3[%arg0, %multiple_of3A_15, %dma_wait3A_53] : memref<2x2560x128xi32, #tpu.memory_space<hbm>> -> memref<1x40x128xi32, #tpu.memory_space<hbm>>
        tpu.wait_dma2 semaphore(%run_scoped3A : memref<!tpu.dma_semaphore, #tpu.memory_space<semaphore_mem>>) src(%dma_wait3A_54 : memref<1x40x128xi32, #tpu.memory_space<hbm>>) dst(%arg6 : memref<1x40x128xi32, #tpu.memory_space<vmem>>)
        tpu.yield
      }) : () -> ()
      "tpu.region"() ({
        %run_scoped3A = tpu.sem_alloc : memref<!tpu.dma_semaphore, #tpu.memory_space<semaphore_mem>>
        %dma_start3A_47 = arith.constant 0 : i32
        %dma_start3A_48 = tpu.memref_slice %arg4[%multiple_of3A_15, %dma_start3A_47] : memref<2560x128xi32, #tpu.memory_space<hbm>> -> memref<40x128xi32, #tpu.memory_space<hbm>>
        %dma_start3A_49 = arith.constant 0 : i32
        %dma_start3A_50 = tpu.memref_slice %arg4[%multiple_of3A_15, %dma_start3A_49] : memref<2560x128xi32, #tpu.memory_space<hbm>> -> memref<40x128xi32, #tpu.memory_space<hbm>>
        tpu.enqueue_dma source(%dma_start3A_50 : memref<40x128xi32, #tpu.memory_space<hbm>>) target(%arg7 : memref<40x128xi32, #tpu.memory_space<vmem>>) target_semaphore(%run_scoped3A : memref<!tpu.dma_semaphore, #tpu.memory_space<semaphore_mem>>)
        %dma_wait3A_51 = arith.constant 0 : i32
        %dma_wait3A_52 = tpu.memref_slice %arg4[%multiple_of3A_15, %dma_wait3A_51] : memref<2560x128xi32, #tpu.memory_space<hbm>> -> memref<40x128xi32, #tpu.memory_space<hbm>>
        %dma_wait3A_53 = arith.constant 0 : i32
        %dma_wait3A_54 = tpu.memref_slice %arg4[%multiple_of3A_15, %dma_wait3A_53] : memref<2560x128xi32, #tpu.memory_space<hbm>> -> memref<40x128xi32, #tpu.memory_space<hbm>>
        tpu.wait_dma2 semaphore(%run_scoped3A : memref<!tpu.dma_semaphore, #tpu.memory_space<semaphore_mem>>) src(%dma_wait3A_54 : memref<40x128xi32, #tpu.memory_space<hbm>>) dst(%arg7 : memref<40x128xi32, #tpu.memory_space<vmem>>)
        tpu.yield
      }) : () -> ()
      %dma_start3A = arith.constant 0 : i32
      %dma_start3A_16 = arith.constant 0 : i32
      %dma_start3A_17 = arith.constant 0 : i32
      %dma_start3A_18 = arith.constant 0 : i32
      %dma_start3A_19 = arith.constant 0 : i32
      %dma_start3A_20 = tpu.memref_slice %arg8[%dma_start3A_17, %dma_start3A_18, %dma_start3A_19] : memref<2x128x128xf32, #tpu.memory_space<vmem>> -> memref<1x128x128xf32, #tpu.memory_space<vmem>>
      %dma_start3A_21 = tpu.memref_squeeze %dma_start3A_20 : memref<1x128x128xf32, #tpu.memory_space<vmem>> -> memref<128x128xf32, #tpu.memory_space<vmem>>
      %dma_start3A_22 = arith.constant 0 : i32
      %dma_start3A_23 = tpu.memref_slice %arg6[%dma_start3A, %dma_start3A_16, %dma_start3A_22] : memref<1x40x128xi32, #tpu.memory_space<vmem>> -> memref<1x1x128xi32, #tpu.memory_space<vmem>>
      %dma_start3A_24 = tpu.memref_squeeze %dma_start3A_23 : memref<1x1x128xi32, #tpu.memory_space<vmem>> -> memref<128xi32, #tpu.memory_space<vmem>>
      %dma_start3A_25 = arith.constant 0 : i32
      %dma_start3A_26 = arith.constant 0 : i32
      %dma_start3A_27 = tpu.memref_slice %arg2[%dma_start3A_25, %dma_start3A_26] : memref<20480x128xf32, #tpu.memory_space<hbm>> -> memref<20480x128xf32, #tpu.memory_space<hbm>>
      tpu.enqueue_indirect_dma source(%dma_start3A_27 : memref<20480x128xf32, #tpu.memory_space<hbm>>) target(%dma_start3A_21 : memref<128x128xf32, #tpu.memory_space<vmem>>) offsets(%dma_start3A_24 : memref<128xi32, #tpu.memory_space<vmem>>) semaphore(%arg10 : memref<!tpu.dma_semaphore, #tpu.memory_space<semaphore_mem>>)
      %scan3A_28 = arith.constant 0 : i32
      %scan3A_29 = arith.constant 40 : i32
      %scan3A_30 = arith.addi %scan3A_28, %scan3A_29 : i32
      %scan3A_31 = arith.constant 1 : i32
      scf.for %scan3A_47 = %scan3A_28 to %scan3A_30 step %scan3A_31  : i32 {
        %jit3A = arith.constant 2 : i32
        %eq3A = arith.constant 0 : i32
        %eq3A_48 = arith.cmpi eq, %jit3A, %eq3A : i32
        %jit3A_49 = arith.constant 1 : i32
        %select_n3A = arith.select %eq3A_48, %jit3A_49, %jit3A : i32
        %rem3A = arith.remsi %scan3A_47, %select_n3A : i32
        %ne3A = arith.constant 0 : i32
        %ne3A_50 = arith.cmpi ne, %rem3A, %ne3A : i32
        %lt3A = arith.constant 0 : i32
        %lt3A_51 = arith.cmpi slt, %rem3A, %lt3A : i32
        %lt3A_52 = arith.constant 0 : i32
        %lt3A_53 = arith.cmpi slt, %select_n3A, %lt3A_52 : i32
        %ne3A_54 = arith.xori %lt3A_51, %lt3A_53 : i1
        %and3A = arith.andi %ne3A_54, %ne3A_50 : i1
        %add3A_55 = arith.addi %rem3A, %select_n3A : i32
        %select_n3A_56 = arith.select %and3A, %add3A_55, %rem3A : i32
        %add3A_57 = arith.constant 1 : i32
        %add3A_58 = arith.addi %scan3A_47, %add3A_57 : i32
        %jit3A_59 = arith.constant 2 : i32
        %eq3A_60 = arith.constant 0 : i32
        %eq3A_61 = arith.cmpi eq, %jit3A_59, %eq3A_60 : i32
        %jit3A_62 = arith.constant 1 : i32
        %select_n3A_63 = arith.select %eq3A_61, %jit3A_62, %jit3A_59 : i32
        %rem3A_64 = arith.remsi %add3A_58, %select_n3A_63 : i32
        %ne3A_65 = arith.constant 0 : i32
        %ne3A_66 = arith.cmpi ne, %rem3A_64, %ne3A_65 : i32
        %lt3A_67 = arith.constant 0 : i32
        %lt3A_68 = arith.cmpi slt, %rem3A_64, %lt3A_67 : i32
        %lt3A_69 = arith.constant 0 : i32
        %lt3A_70 = arith.cmpi slt, %select_n3A_63, %lt3A_69 : i32
        %ne3A_71 = arith.xori %lt3A_68, %lt3A_70 : i1
        %and3A_72 = arith.andi %ne3A_71, %ne3A_66 : i1
        %add3A_73 = arith.addi %rem3A_64, %select_n3A_63 : i32
        %select_n3A_74 = arith.select %and3A_72, %add3A_73, %rem3A_64 : i32
        %dma_wait3A_75 = arith.constant 0 : i32
        %dma_wait3A_76 = arith.constant 0 : i32
        %dma_wait3A_77 = arith.constant 0 : i32
        %dma_wait3A_78 = tpu.memref_slice %arg8[%select_n3A_56, %dma_wait3A_76, %dma_wait3A_77] : memref<2x128x128xf32, #tpu.memory_space<vmem>> -> memref<1x128x128xf32, #tpu.memory_space<vmem>>
        %dma_wait3A_79 = tpu.memref_squeeze %dma_wait3A_78 : memref<1x128x128xf32, #tpu.memory_space<vmem>> -> memref<128x128xf32, #tpu.memory_space<vmem>>
        %dma_wait3A_80 = arith.constant 0 : i32
        %dma_wait3A_81 = tpu.memref_slice %arg6[%dma_wait3A_75, %scan3A_47, %dma_wait3A_80] : memref<1x40x128xi32, #tpu.memory_space<vmem>> -> memref<1x1x128xi32, #tpu.memory_space<vmem>>
        %dma_wait3A_82 = tpu.memref_squeeze %dma_wait3A_81 : memref<1x1x128xi32, #tpu.memory_space<vmem>> -> memref<128xi32, #tpu.memory_space<vmem>>
        %dma_wait3A_83 = arith.constant 0 : i32
        %dma_wait3A_84 = arith.constant 0 : i32
        %dma_wait3A_85 = tpu.memref_slice %arg2[%dma_wait3A_83, %dma_wait3A_84] : memref<20480x128xf32, #tpu.memory_space<hbm>> -> memref<20480x128xf32, #tpu.memory_space<hbm>>
        tpu.wait_indirect_dma semaphore(%arg10 : memref<!tpu.dma_semaphore, #tpu.memory_space<semaphore_mem>>) src(%dma_wait3A_85 : memref<20480x128xf32, #tpu.memory_space<hbm>>) dst(%dma_wait3A_79 : memref<128x128xf32, #tpu.memory_space<vmem>>)
        %ge3A = arith.constant 1 : i32
        %ge3A_86 = arith.cmpi sge, %scan3A_47, %ge3A : i32
        %convert_element_type3A = arith.extui %ge3A_86 : i1 to i32
        %cond3A = arith.constant 0 : i32
        %cond3A_87 = arith.cmpi ne, %convert_element_type3A, %cond3A : i32
        scf.if %cond3A_87 {
          %sub3A = arith.constant 1 : i32
          %sub3A_107 = arith.subi %scan3A_47, %sub3A : i32
          %dma_wait3A_108 = arith.constant 0 : i32
          %dma_wait3A_109 = arith.constant 0 : i32
          %dma_wait3A_110 = tpu.memref_slice %arg8[%select_n3A_74, %dma_wait3A_108, %dma_wait3A_109] : memref<2x128x128xf32, #tpu.memory_space<vmem>> -> memref<1x128x128xf32, #tpu.memory_space<vmem>>
          %dma_wait3A_111 = tpu.memref_squeeze %dma_wait3A_110 : memref<1x128x128xf32, #tpu.memory_space<vmem>> -> memref<128x128xf32, #tpu.memory_space<vmem>>
          %dma_wait3A_112 = arith.constant 0 : i32
          %dma_wait3A_113 = tpu.memref_slice %arg7[%sub3A_107, %dma_wait3A_112] : memref<40x128xi32, #tpu.memory_space<vmem>> -> memref<1x128xi32, #tpu.memory_space<vmem>>
          %dma_wait3A_114 = tpu.memref_squeeze %dma_wait3A_113 : memref<1x128xi32, #tpu.memory_space<vmem>> -> memref<128xi32, #tpu.memory_space<vmem>>
          %dma_wait3A_115 = arith.constant 0 : i32
          %dma_wait3A_116 = arith.constant 0 : i32
          %dma_wait3A_117 = tpu.memref_slice %arg9[%dma_wait3A_115, %dma_wait3A_116] : memref<10240x128xf32, #tpu.memory_space<vmem_shared>> -> memref<10240x128xf32, #tpu.memory_space<vmem_shared>>
          %dma_wait3A_118 = tpu.memref_slice %arg11[%select_n3A_74] : memref<2x!tpu.dma_semaphore, #tpu.memory_space<semaphore_mem>> -> memref<1x!tpu.dma_semaphore, #tpu.memory_space<semaphore_mem>>
          %dma_wait3A_119 = tpu.memref_squeeze %dma_wait3A_118 : memref<1x!tpu.dma_semaphore, #tpu.memory_space<semaphore_mem>> -> memref<!tpu.dma_semaphore, #tpu.memory_space<semaphore_mem>>
          tpu.wait_indirect_dma semaphore(%dma_wait3A_119 : memref<!tpu.dma_semaphore, #tpu.memory_space<semaphore_mem>>) src(%dma_wait3A_111 : memref<128x128xf32, #tpu.memory_space<vmem>>) dst(%dma_wait3A_117 : memref<10240x128xf32, #tpu.memory_space<vmem_shared>>)
        } else {
        }
        %add3A_88 = arith.constant 1 : i32
        %add3A_89 = arith.addi %scan3A_47, %add3A_88 : i32
        %lt3A_90 = arith.constant 40 : i32
        %lt3A_91 = arith.cmpi slt, %add3A_89, %lt3A_90 : i32
        %convert_element_type3A_92 = arith.extui %lt3A_91 : i1 to i32
        %cond3A_93 = arith.constant 0 : i32
        %cond3A_94 = arith.cmpi ne, %convert_element_type3A_92, %cond3A_93 : i32
        scf.if %cond3A_94 {
          %add3A_107 = arith.constant 1 : i32
          %add3A_108 = arith.addi %scan3A_47, %add3A_107 : i32
          %dma_start3A_109 = arith.constant 0 : i32
          %dma_start3A_110 = arith.constant 0 : i32
          %dma_start3A_111 = arith.constant 0 : i32
          %dma_start3A_112 = tpu.memref_slice %arg8[%select_n3A_74, %dma_start3A_110, %dma_start3A_111] : memref<2x128x128xf32, #tpu.memory_space<vmem>> -> memref<1x128x128xf32, #tpu.memory_space<vmem>>
          %dma_start3A_113 = tpu.memref_squeeze %dma_start3A_112 : memref<1x128x128xf32, #tpu.memory_space<vmem>> -> memref<128x128xf32, #tpu.memory_space<vmem>>
          %dma_start3A_114 = arith.constant 0 : i32
          %dma_start3A_115 = tpu.memref_slice %arg6[%dma_start3A_109, %add3A_108, %dma_start3A_114] : memref<1x40x128xi32, #tpu.memory_space<vmem>> -> memref<1x1x128xi32, #tpu.memory_space<vmem>>
          %dma_start3A_116 = tpu.memref_squeeze %dma_start3A_115 : memref<1x1x128xi32, #tpu.memory_space<vmem>> -> memref<128xi32, #tpu.memory_space<vmem>>
          %dma_start3A_117 = arith.constant 0 : i32
          %dma_start3A_118 = arith.constant 0 : i32
          %dma_start3A_119 = tpu.memref_slice %arg2[%dma_start3A_117, %dma_start3A_118] : memref<20480x128xf32, #tpu.memory_space<hbm>> -> memref<20480x128xf32, #tpu.memory_space<hbm>>
          tpu.enqueue_indirect_dma source(%dma_start3A_119 : memref<20480x128xf32, #tpu.memory_space<hbm>>) target(%dma_start3A_113 : memref<128x128xf32, #tpu.memory_space<vmem>>) offsets(%dma_start3A_116 : memref<128xi32, #tpu.memory_space<vmem>>) semaphore(%arg10 : memref<!tpu.dma_semaphore, #tpu.memory_space<semaphore_mem>>)
        } else {
        }
        %dma_start3A_95 = arith.constant 0 : i32
        %dma_start3A_96 = arith.constant 0 : i32
        %dma_start3A_97 = tpu.memref_slice %arg8[%select_n3A_56, %dma_start3A_95, %dma_start3A_96] : memref<2x128x128xf32, #tpu.memory_space<vmem>> -> memref<1x128x128xf32, #tpu.memory_space<vmem>>
        %dma_start3A_98 = tpu.memref_squeeze %dma_start3A_97 : memref<1x128x128xf32, #tpu.memory_space<vmem>> -> memref<128x128xf32, #tpu.memory_space<vmem>>
        %dma_start3A_99 = arith.constant 0 : i32
        %dma_start3A_100 = tpu.memref_slice %arg7[%scan3A_47, %dma_start3A_99] : memref<40x128xi32, #tpu.memory_space<vmem>> -> memref<1x128xi32, #tpu.memory_space<vmem>>
        %dma_start3A_101 = tpu.memref_squeeze %dma_start3A_100 : memref<1x128xi32, #tpu.memory_space<vmem>> -> memref<128xi32, #tpu.memory_space<vmem>>
        %dma_start3A_102 = arith.constant 0 : i32
        %dma_start3A_103 = arith.constant 0 : i32
        %dma_start3A_104 = tpu.memref_slice %arg9[%dma_start3A_102, %dma_start3A_103] : memref<10240x128xf32, #tpu.memory_space<vmem_shared>> -> memref<10240x128xf32, #tpu.memory_space<vmem_shared>>
        %dma_start3A_105 = tpu.memref_slice %arg11[%select_n3A_56] : memref<2x!tpu.dma_semaphore, #tpu.memory_space<semaphore_mem>> -> memref<1x!tpu.dma_semaphore, #tpu.memory_space<semaphore_mem>>
        %dma_start3A_106 = tpu.memref_squeeze %dma_start3A_105 : memref<1x!tpu.dma_semaphore, #tpu.memory_space<semaphore_mem>> -> memref<!tpu.dma_semaphore, #tpu.memory_space<semaphore_mem>>
        tpu.enqueue_indirect_dma source(%dma_start3A_98 : memref<128x128xf32, #tpu.memory_space<vmem>>) target(%dma_start3A_104 : memref<10240x128xf32, #tpu.memory_space<vmem_shared>>) offsets(%dma_start3A_101 : memref<128xi32, #tpu.memory_space<vmem>>) semaphore(%dma_start3A_106 : memref<!tpu.dma_semaphore, #tpu.memory_space<semaphore_mem>>) {add = true}
      }
      %scan3A_32 = arith.constant 40 : i32
      %dma_wait3A = arith.constant 1 : i32
      %dma_wait3A_33 = arith.constant 39 : i32
      %dma_wait3A_34 = arith.constant 1 : i32
      %dma_wait3A_35 = arith.constant 0 : i32
      %dma_wait3A_36 = arith.constant 0 : i32
      %dma_wait3A_37 = tpu.memref_slice %arg8[%dma_wait3A, %dma_wait3A_35, %dma_wait3A_36] : memref<2x128x128xf32, #tpu.memory_space<vmem>> -> memref<1x128x128xf32, #tpu.memory_space<vmem>>
      %dma_wait3A_38 = tpu.memref_squeeze %dma_wait3A_37 : memref<1x128x128xf32, #tpu.memory_space<vmem>> -> memref<128x128xf32, #tpu.memory_space<vmem>>
      %dma_wait3A_39 = arith.constant 0 : i32
      %dma_wait3A_40 = tpu.memref_slice %arg7[%dma_wait3A_33, %dma_wait3A_39] : memref<40x128xi32, #tpu.memory_space<vmem>> -> memref<1x128xi32, #tpu.memory_space<vmem>>
      %dma_wait3A_41 = tpu.memref_squeeze %dma_wait3A_40 : memref<1x128xi32, #tpu.memory_space<vmem>> -> memref<128xi32, #tpu.memory_space<vmem>>
      %dma_wait3A_42 = arith.constant 0 : i32
      %dma_wait3A_43 = arith.constant 0 : i32
      %dma_wait3A_44 = tpu.memref_slice %arg9[%dma_wait3A_42, %dma_wait3A_43] : memref<10240x128xf32, #tpu.memory_space<vmem_shared>> -> memref<10240x128xf32, #tpu.memory_space<vmem_shared>>
      %dma_wait3A_45 = tpu.memref_slice %arg11[%dma_wait3A_34] : memref<2x!tpu.dma_semaphore, #tpu.memory_space<semaphore_mem>> -> memref<1x!tpu.dma_semaphore, #tpu.memory_space<semaphore_mem>>
      %dma_wait3A_46 = tpu.memref_squeeze %dma_wait3A_45 : memref<1x!tpu.dma_semaphore, #tpu.memory_space<semaphore_mem>> -> memref<!tpu.dma_semaphore, #tpu.memory_space<semaphore_mem>>
      tpu.wait_indirect_dma semaphore(%dma_wait3A_46 : memref<!tpu.dma_semaphore, #tpu.memory_space<semaphore_mem>>) src(%dma_wait3A_38 : memref<128x128xf32, #tpu.memory_space<vmem>>) dst(%dma_wait3A_44 : memref<10240x128xf32, #tpu.memory_space<vmem_shared>>)
    }
    %scan3A_7 = arith.constant 4 : i32
    %barrier3A_8 = arith.constant 0 : index
    tpu.barrier barrier_id(%barrier3A_8)
    "tpu.region"() ({
      %run_scoped3A = tpu.sem_alloc : memref<!tpu.dma_semaphore, #tpu.memory_space<semaphore_mem>>
      %dma_start3A = arith.constant 0 : i32
      %dma_start3A_9 = tpu.memref_slice %arg5[%multiple_of3A, %dma_start3A] : memref<20480x128xf32, #tpu.memory_space<hbm>> -> memref<640x128xf32, #tpu.memory_space<hbm>>
      %dma_start3A_10 = arith.constant 0 : i32
      %dma_start3A_11 = tpu.memref_slice %arg9[%mul3A_0, %dma_start3A_10] : memref<10240x128xf32, #tpu.memory_space<vmem_shared>> -> memref<640x128xf32, #tpu.memory_space<vmem_shared>>
      tpu.enqueue_dma source(%dma_start3A_11 : memref<640x128xf32, #tpu.memory_space<vmem_shared>>) target(%dma_start3A_9 : memref<640x128xf32, #tpu.memory_space<hbm>>) target_semaphore(%run_scoped3A : memref<!tpu.dma_semaphore, #tpu.memory_space<semaphore_mem>>)
      %dma_wait3A = arith.constant 0 : i32
      %dma_wait3A_12 = tpu.memref_slice %arg5[%multiple_of3A, %dma_wait3A] : memref<20480x128xf32, #tpu.memory_space<hbm>> -> memref<640x128xf32, #tpu.memory_space<hbm>>
      %dma_wait3A_13 = arith.constant 0 : i32
      %dma_wait3A_14 = tpu.memref_slice %arg9[%mul3A_0, %dma_wait3A_13] : memref<10240x128xf32, #tpu.memory_space<vmem_shared>> -> memref<640x128xf32, #tpu.memory_space<vmem_shared>>
      tpu.wait_dma2 semaphore(%run_scoped3A : memref<!tpu.dma_semaphore, #tpu.memory_space<semaphore_mem>>) src(%dma_wait3A_14 : memref<640x128xf32, #tpu.memory_space<vmem_shared>>) dst(%dma_wait3A_12 : memref<640x128xf32, #tpu.memory_space<hbm>>)
      tpu.yield
    }) : () -> ()
    return
  }
}

module attributes {stable_mosaic.version = 14 : i64} {
  func.func @_tcb_body(%arg0: i32, %arg1: memref<2x1280x128xf32, #tpu.memory_space<vmem>>, %arg2: memref<1280x1xf32, #tpu.memory_space<vmem>>, %arg3: memref<2x1x128xf32, #tpu.memory_space<vmem>>, %arg4: memref<256x256xf32, #tpu.memory_space<vmem>>, %arg5: memref<2x1280x128xf32, #tpu.memory_space<vmem>>, %arg6: memref<2x1280x128xf32, #tpu.memory_space<vmem>>) attributes {dimension_semantics = [#tpu.dimension_semantics<arbitrary>], iteration_bounds = array<i64: 8>, scalar_prefetch = 0 : i64, scratch_operands = 0 : i64, tpu.core_type = #tpu.core_type<tc>, window_params = [{transform_indices = @transform_0, window_bounds = array<i64: 2, 1280, 128>}, {transform_indices = @transform_1, window_bounds = array<i64: 1280, 1>}, {pipeline_mode = #tpu.pipeline_mode<synchronous>, transform_indices = @transform_2, window_bounds = array<i64: 2, 1, 128>}, {pipeline_mode = #tpu.pipeline_mode<synchronous>, transform_indices = @transform_3, window_bounds = array<i64: 256, 256>}, {transform_indices = @transform_4, window_bounds = array<i64: 2, 1280, 128>}, {transform_indices = @transform_5, window_bounds = array<i64: 2, 1280, 128>}]} {
    %get3A = arith.constant 0 : index
    %get3A_0 = arith.constant 0 : index
    %get3A_1 = vector.load %arg2[%get3A, %get3A_0] : memref<1280x1xf32, #tpu.memory_space<vmem>>, vector<1280x1xf32>
    %get3A_2 = arith.constant 0 : index
    %get3A_3 = arith.constant 0 : index
    %get3A_4 = arith.constant 0 : index
    %get3A_5 = vector.load %arg1[%get3A_2, %get3A_3, %get3A_4] : memref<2x1280x128xf32, #tpu.memory_space<vmem>>, vector<1x1280x128xf32>
    %get3A_6 = vector.shape_cast %get3A_5 : vector<1x1280x128xf32> to vector<1280x128xf32>
    %mul3A = vector.broadcast %get3A_1 : vector<1280x1xf32> to vector<1280x128xf32>
    %mul3A_7 = arith.mulf %get3A_6, %mul3A : vector<1280x128xf32>
    %get3A_8 = arith.constant 0 : index
    %get3A_9 = arith.constant 0 : index
    %get3A_10 = arith.constant 0 : index
    %get3A_11 = vector.load %arg3[%get3A_8, %get3A_9, %get3A_10] : memref<2x1x128xf32, #tpu.memory_space<vmem>>, vector<1x1x128xf32>
    %get3A_12 = vector.shape_cast %get3A_11 : vector<1x1x128xf32> to vector<1x128xf32>
    %add3A = vector.broadcast %get3A_12 : vector<1x128xf32> to vector<1280x128xf32>
    %add3A_13 = arith.addf %mul3A_7, %add3A : vector<1280x128xf32>
    %max3A = arith.constant 0.000000e+00 : f32
    %max3A_14 = vector.broadcast %max3A : f32 to vector<1280x128xf32>
    %max3A_15 = arith.maximumf %add3A_13, %max3A_14 : vector<1280x128xf32>
    %get3A_16 = arith.constant 1 : index
    %get3A_17 = arith.constant 0 : index
    %get3A_18 = arith.constant 0 : index
    %get3A_19 = vector.load %arg1[%get3A_16, %get3A_17, %get3A_18] : memref<2x1280x128xf32, #tpu.memory_space<vmem>>, vector<1x1280x128xf32>
    %get3A_20 = vector.shape_cast %get3A_19 : vector<1x1280x128xf32> to vector<1280x128xf32>
    %mul3A_21 = vector.broadcast %get3A_1 : vector<1280x1xf32> to vector<1280x128xf32>
    %mul3A_22 = arith.mulf %get3A_20, %mul3A_21 : vector<1280x128xf32>
    %get3A_23 = arith.constant 1 : index
    %get3A_24 = arith.constant 0 : index
    %get3A_25 = arith.constant 0 : index
    %get3A_26 = vector.load %arg3[%get3A_23, %get3A_24, %get3A_25] : memref<2x1x128xf32, #tpu.memory_space<vmem>>, vector<1x1x128xf32>
    %get3A_27 = vector.shape_cast %get3A_26 : vector<1x1x128xf32> to vector<1x128xf32>
    %add3A_28 = vector.broadcast %get3A_27 : vector<1x128xf32> to vector<1280x128xf32>
    %add3A_29 = arith.addf %mul3A_22, %add3A_28 : vector<1280x128xf32>
    %max3A_30 = arith.constant 0.000000e+00 : f32
    %max3A_31 = vector.broadcast %max3A_30 : f32 to vector<1280x128xf32>
    %max3A_32 = arith.maximumf %add3A_29, %max3A_31 : vector<1280x128xf32>
    %swap3A = arith.constant 0 : index
    %swap3A_33 = arith.constant 0 : index
    %swap3A_34 = arith.constant 0 : index
    %swap3A_35 = vector.load %arg5[%swap3A, %swap3A_33, %swap3A_34] : memref<2x1280x128xf32, #tpu.memory_space<vmem>>, vector<1x1280x128xf32>
    %swap3A_36 = vector.shape_cast %swap3A_35 : vector<1x1280x128xf32> to vector<1280x128xf32>
    %swap3A_37 = vector.shape_cast %max3A_15 : vector<1280x128xf32> to vector<1x1280x128xf32>
    tpu.vector_store %arg5[%swap3A, %swap3A_33, %swap3A_34], %swap3A_37 {strides = array<i32>} : memref<2x1280x128xf32, #tpu.memory_space<vmem>>, vector<1x1280x128xf32>,
    %swap3A_38 = arith.constant 1 : index
    %swap3A_39 = arith.constant 0 : index
    %swap3A_40 = arith.constant 0 : index
    %swap3A_41 = vector.load %arg5[%swap3A_38, %swap3A_39, %swap3A_40] : memref<2x1280x128xf32, #tpu.memory_space<vmem>>, vector<1x1280x128xf32>
    %swap3A_42 = vector.shape_cast %swap3A_41 : vector<1x1280x128xf32> to vector<1280x128xf32>
    %swap3A_43 = vector.shape_cast %max3A_32 : vector<1280x128xf32> to vector<1x1280x128xf32>
    tpu.vector_store %arg5[%swap3A_38, %swap3A_39, %swap3A_40], %swap3A_43 {strides = array<i32>} : memref<2x1280x128xf32, #tpu.memory_space<vmem>>, vector<1x1280x128xf32>,
    %concatenate3A = tpu.concatenate %max3A_15, %max3A_32 in 1 : vector<1280x128xf32>, vector<1280x128xf32> -> vector<1280x256xf32>
    %get3A_44 = arith.constant 0 : index
    %get3A_45 = arith.constant 0 : index
    %get3A_46 = vector.load %arg4[%get3A_44, %get3A_45] : memref<256x256xf32, #tpu.memory_space<vmem>>, vector<256x256xf32>
    %dot_general3A = arith.constant dense<0.000000e+00> : vector<1280x256xf32>
    %dot_general3A_47 = tpu.matmul %concatenate3A, %get3A_46, %dot_general3A {dimension_numbers = #tpu.dot_dimension_numbers<[1], [0], [0], [1], [0, 0, 1, 1], [], []>, transpose_lhs_hint = false} : vector<1280x256xf32>, vector<256x256xf32>, vector<1280x256xf32> -> vector<1280x256xf32>
    %mul3A_48 = vector.broadcast %get3A_1 : vector<1280x1xf32> to vector<1280x256xf32>
    %mul3A_49 = arith.mulf %dot_general3A_47, %mul3A_48 : vector<1280x256xf32>
    %slice3A = vector.extract_strided_slice %mul3A_49 {offsets = [0, 0], sizes = [1280, 128], strides = [1, 1]} : vector<1280x256xf32> to vector<1280x128xf32>
    %swap3A_50 = arith.constant 0 : index
    %swap3A_51 = arith.constant 0 : index
    %swap3A_52 = arith.constant 0 : index
    %swap3A_53 = vector.load %arg6[%swap3A_50, %swap3A_51, %swap3A_52] : memref<2x1280x128xf32, #tpu.memory_space<vmem>>, vector<1x1280x128xf32>
    %swap3A_54 = vector.shape_cast %swap3A_53 : vector<1x1280x128xf32> to vector<1280x128xf32>
    %swap3A_55 = vector.shape_cast %slice3A : vector<1280x128xf32> to vector<1x1280x128xf32>
    tpu.vector_store %arg6[%swap3A_50, %swap3A_51, %swap3A_52], %swap3A_55 {strides = array<i32>} : memref<2x1280x128xf32, #tpu.memory_space<vmem>>, vector<1x1280x128xf32>,
    %slice3A_56 = vector.extract_strided_slice %mul3A_49 {offsets = [0, 128], sizes = [1280, 128], strides = [1, 1]} : vector<1280x256xf32> to vector<1280x128xf32>
    %swap3A_57 = arith.constant 1 : index
    %swap3A_58 = arith.constant 0 : index
    %swap3A_59 = arith.constant 0 : index
    %swap3A_60 = vector.load %arg6[%swap3A_57, %swap3A_58, %swap3A_59] : memref<2x1280x128xf32, #tpu.memory_space<vmem>>, vector<1x1280x128xf32>
    %swap3A_61 = vector.shape_cast %swap3A_60 : vector<1x1280x128xf32> to vector<1280x128xf32>
    %swap3A_62 = vector.shape_cast %slice3A_56 : vector<1280x128xf32> to vector<1x1280x128xf32>
    tpu.vector_store %arg6[%swap3A_57, %swap3A_58, %swap3A_59], %swap3A_62 {strides = array<i32>} : memref<2x1280x128xf32, #tpu.memory_space<vmem>>, vector<1x1280x128xf32>,
    return
  }
  func.func @transform_0(%arg0: i32) -> (i32, i32, i32) {
    %c0_i32 = arith.constant 0 : i32
    %c0_i32_0 = arith.constant 0 : i32
    %c0_i32_1 = arith.constant 0 : i32
    return %c0_i32, %arg0, %c0_i32_0 : i32, i32, i32
  }
  func.func @transform_1(%arg0: i32) -> (i32, i32) {
    %c0_i32 = arith.constant 0 : i32
    %c0_i32_0 = arith.constant 0 : i32
    return %arg0, %c0_i32 : i32, i32
  }
  func.func @transform_2(%arg0: i32) -> (i32, i32, i32) {
    %c0_i32 = arith.constant 0 : i32
    %c0_i32_0 = arith.constant 0 : i32
    %c0_i32_1 = arith.constant 0 : i32
    %c0_i32_2 = arith.constant 0 : i32
    return %c0_i32, %c0_i32_0, %c0_i32_1 : i32, i32, i32
  }
  func.func @transform_3(%arg0: i32) -> (i32, i32) {
    %c0_i32 = arith.constant 0 : i32
    %c0_i32_0 = arith.constant 0 : i32
    %c0_i32_1 = arith.constant 0 : i32
    return %c0_i32, %c0_i32_0 : i32, i32
  }
  func.func @transform_4(%arg0: i32) -> (i32, i32, i32) {
    %c0_i32 = arith.constant 0 : i32
    %c0_i32_0 = arith.constant 0 : i32
    %c0_i32_1 = arith.constant 0 : i32
    return %c0_i32, %arg0, %c0_i32_0 : i32, i32, i32
  }
  func.func @transform_5(%arg0: i32) -> (i32, i32, i32) {
    %c0_i32 = arith.constant 0 : i32
    %c0_i32_0 = arith.constant 0 : i32
    %c0_i32_1 = arith.constant 0 : i32
    return %c0_i32, %arg0, %c0_i32_0 : i32, i32, i32
  }
}

module attributes {stable_mosaic.version = 14 : i64} {
  func.func @_tca_body(%arg0: i32, %arg1: memref<1280x128xf32, #tpu.memory_space<vmem>>, %arg2: memref<128x256xf32, #tpu.memory_space<vmem>>, %arg3: memref<1280x128xf32, #tpu.memory_space<vmem>>, %arg4: memref<1280x128xf32, #tpu.memory_space<vmem>>, %arg5: memref<2x1280x128xf32, #tpu.memory_space<vmem>>, %arg6: memref<1280x1xf32, #tpu.memory_space<vmem>>) attributes {dimension_semantics = [#tpu.dimension_semantics<arbitrary>], iteration_bounds = array<i64: 8>, scalar_prefetch = 0 : i64, scratch_operands = 0 : i64, tpu.core_type = #tpu.core_type<tc>, window_params = [{transform_indices = @transform_0, window_bounds = array<i64: 1280, 128>}, {pipeline_mode = #tpu.pipeline_mode<synchronous>, transform_indices = @transform_1, window_bounds = array<i64: 128, 256>}, {transform_indices = @transform_2, window_bounds = array<i64: 1280, 128>}, {transform_indices = @transform_3, window_bounds = array<i64: 1280, 128>}, {transform_indices = @transform_4, window_bounds = array<i64: 2, 1280, 128>}, {transform_indices = @transform_5, window_bounds = array<i64: 1280, 1>}]} {
    %get3A = arith.constant 0 : index
    %get3A_0 = arith.constant 0 : index
    %get3A_1 = vector.load %arg3[%get3A, %get3A_0] : memref<1280x128xf32, #tpu.memory_space<vmem>>, vector<1280x1xf32>
    %get3A_2 = arith.constant 0 : index
    %get3A_3 = arith.constant 0 : index
    %get3A_4 = vector.load %arg4[%get3A_2, %get3A_3] : memref<1280x128xf32, #tpu.memory_space<vmem>>, vector<1280x1xf32>
    %add3A = arith.addf %get3A_1, %get3A_4 : vector<1280x1xf32>
    %rsqrt3A = math.rsqrt %add3A : vector<1280x1xf32>
    %get3A_5 = arith.constant 0 : index
    %get3A_6 = arith.constant 0 : index
    %get3A_7 = vector.load %arg1[%get3A_5, %get3A_6] : memref<1280x128xf32, #tpu.memory_space<vmem>>, vector<1280x128xf32>
    %get3A_8 = arith.constant 0 : index
    %get3A_9 = arith.constant 0 : index
    %get3A_10 = vector.load %arg2[%get3A_8, %get3A_9] : memref<128x256xf32, #tpu.memory_space<vmem>>, vector<128x256xf32>
    %dot_general3A = arith.constant dense<0.000000e+00> : vector<1280x256xf32>
    %dot_general3A_11 = tpu.matmul %get3A_7, %get3A_10, %dot_general3A {dimension_numbers = #tpu.dot_dimension_numbers<[1], [0], [0], [1], [0, 0, 1, 1], [], []>, transpose_lhs_hint = false} : vector<1280x128xf32>, vector<128x256xf32>, vector<1280x256xf32> -> vector<1280x256xf32>
    %mul3A = vector.broadcast %rsqrt3A : vector<1280x1xf32> to vector<1280x256xf32>
    %mul3A_12 = arith.mulf %dot_general3A_11, %mul3A : vector<1280x256xf32>
    %slice3A = vector.extract_strided_slice %mul3A_12 {offsets = [0, 0], sizes = [1280, 128], strides = [1, 1]} : vector<1280x256xf32> to vector<1280x128xf32>
    %swap3A = arith.constant 0 : index
    %swap3A_13 = arith.constant 0 : index
    %swap3A_14 = arith.constant 0 : index
    %swap3A_15 = vector.load %arg5[%swap3A, %swap3A_13, %swap3A_14] : memref<2x1280x128xf32, #tpu.memory_space<vmem>>, vector<1x1280x128xf32>
    %swap3A_16 = vector.shape_cast %swap3A_15 : vector<1x1280x128xf32> to vector<1280x128xf32>
    %swap3A_17 = vector.shape_cast %slice3A : vector<1280x128xf32> to vector<1x1280x128xf32>
    tpu.vector_store %arg5[%swap3A, %swap3A_13, %swap3A_14], %swap3A_17 {strides = array<i32>} : memref<2x1280x128xf32, #tpu.memory_space<vmem>>, vector<1x1280x128xf32>,
    %slice3A_18 = vector.extract_strided_slice %mul3A_12 {offsets = [0, 128], sizes = [1280, 128], strides = [1, 1]} : vector<1280x256xf32> to vector<1280x128xf32>
    %swap3A_19 = arith.constant 1 : index
    %swap3A_20 = arith.constant 0 : index
    %swap3A_21 = arith.constant 0 : index
    %swap3A_22 = vector.load %arg5[%swap3A_19, %swap3A_20, %swap3A_21] : memref<2x1280x128xf32, #tpu.memory_space<vmem>>, vector<1x1280x128xf32>
    %swap3A_23 = vector.shape_cast %swap3A_22 : vector<1x1280x128xf32> to vector<1280x128xf32>
    %swap3A_24 = vector.shape_cast %slice3A_18 : vector<1280x128xf32> to vector<1x1280x128xf32>
    tpu.vector_store %arg5[%swap3A_19, %swap3A_20, %swap3A_21], %swap3A_24 {strides = array<i32>} : memref<2x1280x128xf32, #tpu.memory_space<vmem>>, vector<1x1280x128xf32>,
    %swap3A_25 = arith.constant 0 : index
    %swap3A_26 = arith.constant 0 : index
    %swap3A_27 = vector.load %arg6[%swap3A_25, %swap3A_26] : memref<1280x1xf32, #tpu.memory_space<vmem>>, vector<1280x1xf32>
    tpu.vector_store %arg6[%swap3A_25, %swap3A_26], %rsqrt3A {strides = array<i32>} : memref<1280x1xf32, #tpu.memory_space<vmem>>, vector<1280x1xf32>,
    return
  }
  func.func @transform_0(%arg0: i32) -> (i32, i32) {
    %c0_i32 = arith.constant 0 : i32
    %c0_i32_0 = arith.constant 0 : i32
    return %arg0, %c0_i32 : i32, i32
  }
  func.func @transform_1(%arg0: i32) -> (i32, i32) {
    %c0_i32 = arith.constant 0 : i32
    %c0_i32_0 = arith.constant 0 : i32
    %c0_i32_1 = arith.constant 0 : i32
    return %c0_i32, %c0_i32_0 : i32, i32
  }
  func.func @transform_2(%arg0: i32) -> (i32, i32) {
    %c0_i32 = arith.constant 0 : i32
    %c0_i32_0 = arith.constant 0 : i32
    return %arg0, %c0_i32 : i32, i32
  }
  func.func @transform_3(%arg0: i32) -> (i32, i32) {
    %add3A = arith.constant 8 : i32
    %add3A_0 = arith.addi %arg0, %add3A : i32
    %c0_i32 = arith.constant 0 : i32
    %c0_i32_1 = arith.constant 0 : i32
    return %add3A_0, %c0_i32 : i32, i32
  }
  func.func @transform_4(%arg0: i32) -> (i32, i32, i32) {
    %c0_i32 = arith.constant 0 : i32
    %c0_i32_0 = arith.constant 0 : i32
    %c0_i32_1 = arith.constant 0 : i32
    return %c0_i32, %arg0, %c0_i32_0 : i32, i32, i32
  }
  func.func @transform_5(%arg0: i32) -> (i32, i32) {
    %c0_i32 = arith.constant 0 : i32
    %c0_i32_0 = arith.constant 0 : i32
    return %arg0, %c0_i32 : i32, i32
  }
}

module attributes {stable_mosaic.version = 14 : i64} {
  func.func @_tcc_body(%arg0: i32, %arg1: memref<2x1280x128xf32, #tpu.memory_space<vmem>>, %arg2: memref<1280x1xf32, #tpu.memory_space<vmem>>, %arg3: memref<2x1x128xf32, #tpu.memory_space<vmem>>, %arg4: memref<2x1280x128xf32, #tpu.memory_space<vmem>>, %arg5: memref<2x1280x128xf32, #tpu.memory_space<vmem>>, %arg6: memref<2x128x1xf32, #tpu.memory_space<vmem>>, %arg7: memref<1x1xf32, #tpu.memory_space<vmem>>, %arg8: memref<1280x1xf32, #tpu.memory_space<vmem>>) attributes {dimension_semantics = [#tpu.dimension_semantics<arbitrary>], iteration_bounds = array<i64: 8>, scalar_prefetch = 0 : i64, scratch_operands = 0 : i64, tpu.core_type = #tpu.core_type<tc>, window_params = [{transform_indices = @transform_0, window_bounds = array<i64: 2, 1280, 128>}, {transform_indices = @transform_1, window_bounds = array<i64: 1280, 1>}, {pipeline_mode = #tpu.pipeline_mode<synchronous>, transform_indices = @transform_2, window_bounds = array<i64: 2, 1, 128>}, {transform_indices = @transform_3, window_bounds = array<i64: 2, 1280, 128>}, {transform_indices = @transform_4, window_bounds = array<i64: 2, 1280, 128>}, {pipeline_mode = #tpu.pipeline_mode<synchronous>, transform_indices = @transform_5, window_bounds = array<i64: 2, 128, 1>}, {pipeline_mode = #tpu.pipeline_mode<synchronous>, transform_indices = @transform_6, window_bounds = array<i64: 1, 1>}, {transform_indices = @transform_7, window_bounds = array<i64: 1280, 1>}]} {
    %get3A = arith.constant 0 : index
    %get3A_0 = arith.constant 0 : index
    %get3A_1 = vector.load %arg2[%get3A, %get3A_0] : memref<1280x1xf32, #tpu.memory_space<vmem>>, vector<1280x1xf32>
    %get3A_2 = arith.constant 0 : index
    %get3A_3 = arith.constant 0 : index
    %get3A_4 = arith.constant 0 : index
    %get3A_5 = vector.load %arg1[%get3A_2, %get3A_3, %get3A_4] : memref<2x1280x128xf32, #tpu.memory_space<vmem>>, vector<1x1280x128xf32>
    %get3A_6 = vector.shape_cast %get3A_5 : vector<1x1280x128xf32> to vector<1280x128xf32>
    %mul3A = vector.broadcast %get3A_1 : vector<1280x1xf32> to vector<1280x128xf32>
    %mul3A_7 = arith.mulf %get3A_6, %mul3A : vector<1280x128xf32>
    %get3A_8 = arith.constant 0 : index
    %get3A_9 = arith.constant 0 : index
    %get3A_10 = arith.constant 0 : index
    %get3A_11 = vector.load %arg3[%get3A_8, %get3A_9, %get3A_10] : memref<2x1x128xf32, #tpu.memory_space<vmem>>, vector<1x1x128xf32>
    %get3A_12 = vector.shape_cast %get3A_11 : vector<1x1x128xf32> to vector<1x128xf32>
    %add3A = vector.broadcast %get3A_12 : vector<1x128xf32> to vector<1280x128xf32>
    %add3A_13 = arith.addf %mul3A_7, %add3A : vector<1280x128xf32>
    %max3A = arith.constant 0.000000e+00 : f32
    %max3A_14 = vector.broadcast %max3A : f32 to vector<1280x128xf32>
    %max3A_15 = arith.maximumf %add3A_13, %max3A_14 : vector<1280x128xf32>
    %get3A_16 = arith.constant 1 : index
    %get3A_17 = arith.constant 0 : index
    %get3A_18 = arith.constant 0 : index
    %get3A_19 = vector.load %arg1[%get3A_16, %get3A_17, %get3A_18] : memref<2x1280x128xf32, #tpu.memory_space<vmem>>, vector<1x1280x128xf32>
    %get3A_20 = vector.shape_cast %get3A_19 : vector<1x1280x128xf32> to vector<1280x128xf32>
    %mul3A_21 = vector.broadcast %get3A_1 : vector<1280x1xf32> to vector<1280x128xf32>
    %mul3A_22 = arith.mulf %get3A_20, %mul3A_21 : vector<1280x128xf32>
    %get3A_23 = arith.constant 1 : index
    %get3A_24 = arith.constant 0 : index
    %get3A_25 = arith.constant 0 : index
    %get3A_26 = vector.load %arg3[%get3A_23, %get3A_24, %get3A_25] : memref<2x1x128xf32, #tpu.memory_space<vmem>>, vector<1x1x128xf32>
    %get3A_27 = vector.shape_cast %get3A_26 : vector<1x1x128xf32> to vector<1x128xf32>
    %add3A_28 = vector.broadcast %get3A_27 : vector<1x128xf32> to vector<1280x128xf32>
    %add3A_29 = arith.addf %mul3A_22, %add3A_28 : vector<1280x128xf32>
    %max3A_30 = arith.constant 0.000000e+00 : f32
    %max3A_31 = vector.broadcast %max3A_30 : f32 to vector<1280x128xf32>
    %max3A_32 = arith.maximumf %add3A_29, %max3A_31 : vector<1280x128xf32>
    %get3A_33 = arith.constant 0 : index
    %get3A_34 = arith.constant 0 : index
    %get3A_35 = arith.constant 0 : index
    %get3A_36 = vector.load %arg4[%get3A_33, %get3A_34, %get3A_35] : memref<2x1280x128xf32, #tpu.memory_space<vmem>>, vector<1x1280x128xf32>
    %get3A_37 = vector.shape_cast %get3A_36 : vector<1x1280x128xf32> to vector<1280x128xf32>
    %get3A_38 = arith.constant 0 : index
    %get3A_39 = arith.constant 0 : index
    %get3A_40 = arith.constant 0 : index
    %get3A_41 = vector.load %arg5[%get3A_38, %get3A_39, %get3A_40] : memref<2x1280x128xf32, #tpu.memory_space<vmem>>, vector<1x1280x128xf32>
    %get3A_42 = vector.shape_cast %get3A_41 : vector<1x1280x128xf32> to vector<1280x128xf32>
    %max3A_43 = arith.maximumf %get3A_37, %get3A_42 : vector<1280x128xf32>
    %max3A_44 = arith.maximumf %max3A_43, %max3A_15 : vector<1280x128xf32>
    %get3A_45 = arith.constant 1 : index
    %get3A_46 = arith.constant 0 : index
    %get3A_47 = arith.constant 0 : index
    %get3A_48 = vector.load %arg4[%get3A_45, %get3A_46, %get3A_47] : memref<2x1280x128xf32, #tpu.memory_space<vmem>>, vector<1x1280x128xf32>
    %get3A_49 = vector.shape_cast %get3A_48 : vector<1x1280x128xf32> to vector<1280x128xf32>
    %get3A_50 = arith.constant 1 : index
    %get3A_51 = arith.constant 0 : index
    %get3A_52 = arith.constant 0 : index
    %get3A_53 = vector.load %arg5[%get3A_50, %get3A_51, %get3A_52] : memref<2x1280x128xf32, #tpu.memory_space<vmem>>, vector<1x1280x128xf32>
    %get3A_54 = vector.shape_cast %get3A_53 : vector<1x1280x128xf32> to vector<1280x128xf32>
    %max3A_55 = arith.maximumf %get3A_49, %get3A_54 : vector<1280x128xf32>
    %max3A_56 = arith.maximumf %max3A_55, %max3A_32 : vector<1280x128xf32>
    %get3A_57 = arith.constant 0 : index
    %get3A_58 = arith.constant 0 : index
    %get3A_59 = arith.constant 0 : index
    %get3A_60 = vector.load %arg6[%get3A_57, %get3A_58, %get3A_59] : memref<2x128x1xf32, #tpu.memory_space<vmem>>, vector<1x128x1xf32>
    %get3A_61 = vector.shape_cast %get3A_60 : vector<1x128x1xf32> to vector<128xf32>
    %broadcast_in_dim3A = vector.shape_cast %get3A_61 : vector<128xf32> to vector<1x128xf32>
    %mul3A_62 = vector.broadcast %broadcast_in_dim3A : vector<1x128xf32> to vector<1280x128xf32>
    %mul3A_63 = arith.mulf %max3A_44, %mul3A_62 : vector<1280x128xf32>
    %reduce_sum3A = arith.constant dense<0.000000e+00> : vector<1280xf32>
    %reduce_sum3A_64 = vector.multi_reduction <add>, %mul3A_63, %reduce_sum3A [1] : vector<1280x128xf32> to vector<1280xf32>
    %broadcast_in_dim3A_65 = vector.shape_cast %reduce_sum3A_64 : vector<1280xf32> to vector<1280x1xf32>
    %get3A_66 = arith.constant 1 : index
    %get3A_67 = arith.constant 0 : index
    %get3A_68 = arith.constant 0 : index
    %get3A_69 = vector.load %arg6[%get3A_66, %get3A_67, %get3A_68] : memref<2x128x1xf32, #tpu.memory_space<vmem>>, vector<1x128x1xf32>
    %get3A_70 = vector.shape_cast %get3A_69 : vector<1x128x1xf32> to vector<128xf32>
    %broadcast_in_dim3A_71 = vector.shape_cast %get3A_70 : vector<128xf32> to vector<1x128xf32>
    %mul3A_72 = vector.broadcast %broadcast_in_dim3A_71 : vector<1x128xf32> to vector<1280x128xf32>
    %mul3A_73 = arith.mulf %max3A_56, %mul3A_72 : vector<1280x128xf32>
    %reduce_sum3A_74 = arith.constant dense<0.000000e+00> : vector<1280xf32>
    %reduce_sum3A_75 = vector.multi_reduction <add>, %mul3A_73, %reduce_sum3A_74 [1] : vector<1280x128xf32> to vector<1280xf32>
    %broadcast_in_dim3A_76 = vector.shape_cast %reduce_sum3A_75 : vector<1280xf32> to vector<1280x1xf32>
    %add3A_77 = arith.addf %broadcast_in_dim3A_65, %broadcast_in_dim3A_76 : vector<1280x1xf32>
    %get3A_78 = arith.constant 0 : index
    %get3A_79 = arith.constant 0 : index
    %get3A_80 = vector.load %arg7[%get3A_78, %get3A_79] : memref<1x1xf32, #tpu.memory_space<vmem>>, vector<1x1xf32>
    %get3A_81 = vector.extract %get3A_80[0, 0] : f32 from vector<1x1xf32>
    %add3A_82 = vector.broadcast %get3A_81 : f32 to vector<1280x1xf32>
    %add3A_83 = arith.addf %add3A_77, %add3A_82 : vector<1280x1xf32>
    %swap3A = arith.constant 0 : index
    %swap3A_84 = arith.constant 0 : index
    %swap3A_85 = vector.load %arg8[%swap3A, %swap3A_84] : memref<1280x1xf32, #tpu.memory_space<vmem>>, vector<1280x1xf32>
    tpu.vector_store %arg8[%swap3A, %swap3A_84], %add3A_83 {strides = array<i32>} : memref<1280x1xf32, #tpu.memory_space<vmem>>, vector<1280x1xf32>,
    return
  }
  func.func @transform_0(%arg0: i32) -> (i32, i32, i32) {
    %c0_i32 = arith.constant 0 : i32
    %c0_i32_0 = arith.constant 0 : i32
    %c0_i32_1 = arith.constant 0 : i32
    return %c0_i32, %arg0, %c0_i32_0 : i32, i32, i32
  }
  func.func @transform_1(%arg0: i32) -> (i32, i32) {
    %c0_i32 = arith.constant 0 : i32
    %c0_i32_0 = arith.constant 0 : i32
    return %arg0, %c0_i32 : i32, i32
  }
  func.func @transform_2(%arg0: i32) -> (i32, i32, i32) {
    %c0_i32 = arith.constant 0 : i32
    %c0_i32_0 = arith.constant 0 : i32
    %c0_i32_1 = arith.constant 0 : i32
    %c0_i32_2 = arith.constant 0 : i32
    return %c0_i32, %c0_i32_0, %c0_i32_1 : i32, i32, i32
  }
  func.func @transform_3(%arg0: i32) -> (i32, i32, i32) {
    %c0_i32 = arith.constant 0 : i32
    %c0_i32_0 = arith.constant 0 : i32
    %c0_i32_1 = arith.constant 0 : i32
    return %c0_i32, %arg0, %c0_i32_0 : i32, i32, i32
  }
  func.func @transform_4(%arg0: i32) -> (i32, i32, i32) {
    %c0_i32 = arith.constant 0 : i32
    %c0_i32_0 = arith.constant 0 : i32
    %c0_i32_1 = arith.constant 0 : i32
    return %c0_i32, %arg0, %c0_i32_0 : i32, i32, i32
  }
  func.func @transform_5(%arg0: i32) -> (i32, i32, i32) {
    %c0_i32 = arith.constant 0 : i32
    %c0_i32_0 = arith.constant 0 : i32
    %c0_i32_1 = arith.constant 0 : i32
    %c0_i32_2 = arith.constant 0 : i32
    return %c0_i32, %c0_i32_0, %c0_i32_1 : i32, i32, i32
  }
  func.func @transform_6(%arg0: i32) -> (i32, i32) {
    %c0_i32 = arith.constant 0 : i32
    %c0_i32_0 = arith.constant 0 : i32
    %c0_i32_1 = arith.constant 0 : i32
    return %c0_i32, %c0_i32_0 : i32, i32
  }
  func.func @transform_7(%arg0: i32) -> (i32, i32) {
    %c0_i32 = arith.constant 0 : i32
    %c0_i32_0 = arith.constant 0 : i32
    return %arg0, %c0_i32 : i32, i32
  }
}

</mosaic_0001>

<sc_bundles>
// kernel: kernel.10.cloned.1.call-start
scs
__scs_entry_jumppad:
0x0: {  	(pc) =	sbr.rel $0x88, $3  }
0x1: {  	(tag) =	ssettag $0x0;
	lr =	simm.s32 $0x1  }
0x2: {  	[smem:$0x3F97] =	sst lr;
	_ =	strace $0xD0000000  }
0x3: {  	_ = 	snop  }
0x4: {  	_ = 	snop  }
0x5: {  	_ = 	snop  }
0x6: {  	_ = 	snop  }
0x7: {  	_ = 	snop  }
__scs_overlays_trampoline_lowered:
0x8: {  	[smem:$0x3FA6] =	sst s0  }
0x9: {  	[smem:$0x3FA7] =	sst s1  }
0xa: {  	[smem:$0x3FA8] =	sst s2  }
0xb: {  	[smem:$0x3FA9] =	sst s3  }
0xc: {  	[smem:$0x3FAA] =	sst s4  }
0xd: {  	[smem:$0x3FAB] =	sst s5  }
0xe: {  	[smem:$0x3FAC] =	sst s6  }
0xf: {  	[smem:$0x3FAD] =	sst s7  }
0x10: {  	[smem:$0x3FAE] =	sst s8  }
0x11: {  	[smem:$0x3FAF] =	sst s9;
	s0 =	simm.s32 @!p0 $0x0  }
0x12: {  	s1 =	sld [smem:$0x3F95];
	s0 =	simm.s32 @p0 $0x1  }
0x13: {  	[smem:$0x3FB0] =	sst s0;
	s0 =	simm.s32 @!p1 $0x0  }
0x14: {  	s2 =	sld [smem:$0x3F94];
	s0 =	simm.s32 @p1 $0x1  }
0x15: {  	[smem:$0x3FB1] =	sst s0;
	s0 =	simm.s32 @!p2 $0x0  }
0x16: {  	s3 =	sld [smem:$0x3FDB];
	s0 =	simm.s32 @p2 $0x1  }
0x17: {  	s4 =	simm.s32 $0x1BF5;
	[smem:$0x3FB3] =	sst s0  }
0x18: {  	s0 =	sld [smem:$0x3F96];
	_ =	swait.ge [sflag:s4], $0x0  }
0x19: {  	s7 =	sld [smem:$0x3F97]  }
0x1a: {  	s8 =	sadd.s32 $0xFFFFE003, lr  }
0x1b: {  	s9 =	sadd.s32 $0xFFFFFEF7, lr;
	s5 =	simm.s32 $0xFFFFFFFF;
	p2 =	slt.u32 s8, $0xFFFFF086  }
0x1c: {  	p1 =	slt.u32 s9, $0xF7A;
	s5 =	simm.s32 @!p2 $0x0  }
0x1d: {  	s5 =	simm.s32 @p1 $0x1;
	p0 =	seq.s32 s7, s2  }
0x1e: {  	s7 =	smul.u32 @!p0 $0xF7A, s2;
	p2 =	seq.s32 @!p0 s5, $0x0  }
0x1f: {  	s9 =	smul.u32 $0xF7A, s1;
	s8 =	simm.s32 @!p0 $0x1BF5;
	p2 =	por !p2, p0  }
0x20: {  	[sflag:s8] =	ssyncset.s32 @!p0 $0xFFFFF086;
	s6 =	sadd.s32 @!p0 s3, s7;
	s7 =	simm.s32 @!p0 $0x108  }
0x21: {  	s3 =	sadd.s32 s3, s9;
	s6 =	sadd.s32 @!p0 $0x88, s6;
	s7 =	simm.s32 @p2 $0x1082  }
0x22: {  	[simem:s7], [sflag:s8] =	dma.local @!p0 [hbm:s6], $0xF7A  }
0x23: {  	s9 =	sor.u32 $0xD0000000, s2;
	s6 =	simm.s32 $0x108;
	_ =	swait.ge @!p0 [sflag:s8], $0x0  }
0x24: {  	s3 =	sadd.s32 $0x88, s3;
	s6 =	simm.s32 @!p1 $0x1082;
	[sflag:s4] =	ssyncset.s32 $0xFFFFF086  }
0x25: {  	[simem:s6], [sflag:s4] =	dma.local [hbm:s3], $0xF7A  }
0x26: {  	[smem:$0x3F97] =	sst s1;
	(tag) =	ssettag s2;
	_ =	strace s9  }
0x27: {  	s1 =	sld [smem:$0x3FA7]  }
0x28: {  	s2 =	sld [smem:$0x3FA8]  }
0x29: {  	s4 =	sld [smem:$0x3FAA]  }
0x2a: {  	p0 =	seq.s32 s5, $0x0;
	s5 =	sld [smem:$0x3FAB]  }
0x2b: {  	s6 =	sld [smem:$0x3FAC]  }
0x2c: {  	s7 =	sld [smem:$0x3FAD]  }
0x2d: {  	s3 =	simm.s32 $0x108;
	s8 =	sld [smem:$0x3FAE]  }
0x2e: {  	s3 =	simm.s32 @!p0 $0x1082;
	s9 =	sld [smem:$0x3FAF]  }
0x2f: {  	lr =	sadd.s32 s0, s3;
	s0 =	sld [smem:$0x3FA6]  }
0x30: {  	s3 =	sld [smem:$0x3FA9]  }
0x31: {  	[smem:$0x3FB2] =	sst s10  }
0x32: {  	s10 =	sld [smem:$0x3FB0];
	_ =	sdelay $0x3  }
0x33: {  	p0 =	seq.s32 s10, $0x1;
	s10 =	sld [smem:$0x3FB2];
	_ =	sdelay $0x3  }
0x34: {  	[smem:$0x3FB2] =	sst s10  }
0x35: {  	s10 =	sld [smem:$0x3FB1];
	_ =	sdelay $0x3  }
0x36: {  	p1 =	seq.s32 s10, $0x1;
	s10 =	sld [smem:$0x3FB2];
	_ =	sdelay $0x3  }
0x37: {  	[smem:$0x3FB2] =	sst s10  }
0x38: {  	s10 =	sld [smem:$0x3FB3]  }
0x39: {  	_ = 	snop;
	(pc) =	sbr.ind lr, $3  }
0x3a: {  	_ = 	snop  }
0x3b: {  	_ = 	snop  }
0x3c: {  	p2 =	seq.s32 s10, $0x1;
	s10 =	sld [smem:$0x3FB2]  }
0x3d: {  	_ =	shalt  }
0x3e: {  	_ =	shalt  }
0x3f: {  	_ =	shalt  }
0x40: {  	_ =	shalt  }
0x41: {  	_ =	shalt  }
0x42: {  	_ =	shalt  }
0x43: {  	_ =	shalt  }
0x44: {  	_ =	shalt  }
0x45: {  	_ =	shalt  }
0x46: {  	_ =	shalt  }
0x47: {  	_ =	shalt  }
0x48: {  	_ =	shalt  }
0x49: {  	_ =	shalt  }
0x4a: {  	_ =	shalt  }
0x4b: {  	_ =	shalt  }
0x4c: {  	_ =	shalt  }
0x4d: {  	_ =	shalt  }
0x4e: {  	_ =	shalt  }
0x4f: {  	_ =	shalt  }
0x50: {  	_ =	shalt  }
0x51: {  	_ =	shalt  }
0x52: {  	_ =	shalt  }
0x53: {  	_ =	shalt  }
0x54: {  	_ =	shalt  }
0x55: {  	_ =	shalt  }
0x56: {  	_ =	shalt  }
0x57: {  	_ =	shalt  }
0x58: {  	_ =	shalt  }
0x59: {  	_ =	shalt  }
0x5a: {  	_ =	shalt  }
0x5b: {  	_ =	shalt  }
0x5c: {  	_ =	shalt  }
0x5d: {  	_ =	shalt  }
0x5e: {  	_ =	shalt  }
0x5f: {  	_ =	shalt  }
0x60: {  	_ =	shalt  }
0x61: {  	_ =	shalt  }
0x62: {  	_ =	shalt  }
0x63: {  	_ =	shalt  }
0x64: {  	_ =	shalt  }
0x65: {  	_ =	shalt  }
0x66: {  	_ =	shalt  }
0x67: {  	_ =	shalt  }
0x68: {  	_ =	shalt  }
0x69: {  	_ =	shalt  }
0x6a: {  	_ =	shalt  }
0x6b: {  	_ =	shalt  }
0x6c: {  	_ =	shalt  }
0x6d: {  	_ =	shalt  }
0x6e: {  	_ =	shalt  }
0x6f: {  	_ =	shalt  }
0x70: {  	_ =	shalt  }
0x71: {  	_ =	shalt  }
0x72: {  	_ =	shalt  }
0x73: {  	_ =	shalt  }
0x74: {  	_ =	shalt  }
0x75: {  	_ =	shalt  }
0x76: {  	_ =	shalt  }
0x77: {  	_ =	shalt  }
0x78: {  	_ =	shalt  }
0x79: {  	_ =	shalt  }
0x7a: {  	_ =	shalt  }
0x7b: {  	_ =	shalt  }
0x7c: {  	_ =	shalt  }
0x7d: {  	_ =	shalt  }
0x7e: {  	_ =	shalt  }
0x7f: {  	_ =	shalt  }
0x80: {  	_ =	shalt  }
0x81: {  	_ =	shalt  }
0x82: {  	_ =	shalt  }
0x83: {  	_ =	shalt  }
0x84: {  	_ =	shalt  }
0x85: {  	_ =	shalt  }
0x86: {  	_ =	shalt  }
0x87: {  	_ =	shalt  }
.Lfunc_end0:
.L_simem_size_0:
called_computation_lowered:
.L_overlay_start_0:
0x88: {  	s2 =	sld [smem:$0x3FD9]  }
0x89: {  	s3 =	sld [smem:$0x3FFE];
	_ =	sdelay $0x1  }
0x8a: {  	s1 =	srdreg.scid  }
0x8b: {  	s0 =	sand.u32 $0x1, s1  }
0x8c: {  	s16 =	sshll.u32 s0, $0xA;
	s2 =	sadd.s32 s3, s2  }
0x8d: {  	s2 =	sadd.s32 s2, s16  }
0x8e: {  	[smem:$0x3FBE] =	sst s2  }
0x8f: {  	_ = 	snop  }
0x90: {  	(tm) =	ssettm $0x1  }
0x91: {  	s17 =	sld [smem:$0x3FFB];
	_ =	sdelay $0x3  }
0x92: {  	_ =	strace s17  }
0x93: {  	s2 =	sld [smem:$0x3FFC];
	_ =	sdelay $0x3  }
0x94: {  	_ =	strace s2  }
0x95: {  	s2 =	sld [smem:$0x3FFD];
	_ =	sdelay $0x3  }
0x96: {  	_ =	strace s2  }
0x97: {  	_ =	strace $0x8FFFFFFF  }
0x98: {  	s18 =	sld [smem:$0x3FDB];
	_ =	sdelay $0x1  }
0x99: {  	s19 =	simm.s32 $_scs_section_size  }
0x9a: {  	s4 =	simm.s32 $_size__tile_overlayer_lowered;
	s5 =	simm.s32 $_tile_overlayer_lowered  }
0x9b: {  	s22 =	simm.s32 $0x1BFF;
	s21 =	sshll.u32 s5, $0x1;
	s2 =	sadd.s32 s19, s18  }
0x9c: {  	s6 =	simm.s32 $0x0;
	s20 =	sshll.u32 s4, $0x1;
	s4 =	sadd.s32 s21, s2  }
0x9d: {  	[timem:s6], [sflag:s22] =	dma.local [hbm:s4], s20  }
0x9e: {  	_ =	swait.ge [sflag:s22], s20  }
0x9f: {  	s3 =	ssub.s32 $0x0, s20;
	[sflag:s22] =	ssyncset.done $0x0  }
0xa0: {  	[sflag:s22] =	ssyncadd.s32 s3;
	_ =	sdelay $0x1  }
0xa1: {  	s23 =	simm.s32 $0x1B8B  }
0xa2: {  	_ =	swait.ge [sflag:s23], $0x1  }
0xa3: {  	[sflag:s23] =	ssyncset.done $0x0  }
0xa4: {  	s25 =	simm.s32 $0x1B8E;
	s24 =	sld [smem:$0x3FFE];
	[sflag:s23] =	ssyncadd.s32 $0xFFFFFFFF  }
0xa5: {  	s26 =	simm.s32 $execute0_lowered;
	[smem:$0x3FD2] =	sst s25  }
0xa6: {  	s4 =	sshll.u32 s26, $0x1;
	_ =	strace $0x80000046;
	[dreg:$0x1] =	wrdreg $0xFFFFFFFF  }
0xa7: {  	s28 =	simm.s32 $_size_execute0_lowered;
	s2 =	sadd.s32 s2, s4;
	[dreg:$0x0] =	wrdreg $0x0  }
0xa8: {  	s4 =	sshll.u32 s28, $0x1;
	[dreg:$0x2] =	wrdreg s2  }
0xa9: {  	[dreg:$0x3] =	wrdreg s4  }
0xaa: {  	[dreg:$0x4] =	wrdreg $0xC0  }
0xab: {  	_ =	task [dreg:s6], $0x5FFFF  }
0xac: {  	[dreg:$0x1] =	wrdreg $0xFFFFFFFF  }
0xad: {  	[dreg:$0x0] =	wrdreg $0x60  }
0xae: {  	[dreg:$0x2] =	wrdreg s24  }
0xaf: {  	[dreg:$0x3] =	wrdreg $0x68000  }
0xb0: {  	[dreg:$0x4] =	wrdreg $0x9  }
0xb1: {  	_ =	task.clear_ibuf [dreg:s6], $0x5FFFF;
	_ =	strace $0x90000046  }
0xb2: {  	s29 =	simm.s32 $0x9;
	_ =	strace $0x80000048  }
0xb3: {  	_ =	swait.ge [sflag:s29], $0x1  }
0xb4: {  	[sflag:s29] =	ssyncadd.s32 $0xFFFFFFFF  }
0xb5: {  	_ =	strace $0x90000048  }
0xb6: {  	_ =	sfence  }
0xb7: {  	s30 =	sld [smem:$0x0];
	_ =	sdelay $0x2  }
0xb8: {  	s31 =	sshll.u32 s1, $0xD;
	s1 =	sshrl.u32 s1, $0x2  }
0xb9: {  	s3 =	sand.u32 $0x4000, s31;
	s1 =	sadd.s32 s1, s30  }
0xba: {  	s0 =	sor.u32 s3, s0;
	s1 =	sshll.u32 s1, $0x11  }
0xbb: {  	s0 =	sor.u32 s1, s0  }
0xbc: {  	s0 =	sadd.s32 $0x8F2B, s0  }
0xbd: {  	[sflag:s0] =	ssyncadd.remote.s32 $0x1  }
0xbe: {  	_ =	sfence.sel $0xFFFF  }
0xbf: {  	[dreg:$0x0] =	wrdreg $0xFFFFFFFF;
	(pc) =	sbr.abs _section_cstart, $3  }
0xc0: {  	[dreg:$0x1] =	wrdreg $0xFFFFFFFF  }
0xc1: {  	_ =	task.clear_ibuf [dreg:s6], $0x2FFFF;
	_ =	strace $0x9FFFFFFF  }
0xc2: {  	(tm) =	ssettm $0x7FFFFFFF  }
0xc3: {  	_ =	shalt  }
tec
execute0_lowered:
.L_overlay_start_1:
0x0: {  	(tag) =	ssettag $0x1  }
0x1: {  	s6 =	rddreg [dreg:$0x0]  }
0x2: {  	s0 =	srdreg.scid;
	s2 =	rddreg [dreg:$0x1]  }
0x3: {  	s1 =	rddreg [dreg:$0x2];
	s4 =	sand.u32 $0x1, s0  }
0x4: {  	s0 =	stileid.u32;
	s5 =	smul.u32 $0x5000, s4  }
0x5: {  	s3 =	simm.s32 $0x0;
	s13 =	simm.s32 $0x80;
	s7 =	smul.u32 $0x500, s0  }
0x6: {  	s14 =	simm.s32 $0x1;
	[smem:$0x7FF] =	sst s3;
	s8 =	smul.u32 $0x280, s0  }
0x7: {  	s15 =	simm.s32 $0x0;
	s9 =	smul.u32 $0x2800, s4;
	_ =	strace $0x80000047  }
0x8: {  	s28 =	ssub.s32 $0x2, s4;
	s10 =	smul.u32 $0x50000, s0;
	s4 =	sadd.s32 $0xC600, s6  }
0x9: {  	s31 =	sshll.u32 s0, $0x6;
	s29 =	sshrl.u32 s28, $0x1;
	s5 =	sadd.s32 s7, s5  }
0xa: {  	s26 =	sadd.s32 s8, s9;
	s12 =	ssub.s32 s28, s29;
	s30 =	sshrl.u32 s10, $0x2  }
0xb: {  	s7 =	sadd.s32 s5, s6;
	s5 =	sshll.u32 s26, $0x4;
	s10 =	sadd.s32 s30, s2  }
0xc: {  	s11 =	sadd.s32 s5, s6;
	s5 =	sadd.s32 s4, s9;
	s6 =	sor.u32 $0x1C02, s31  }
0xd: {  	s7 =	sadd.s32 $0x2600, s7;
	s9 =	smax.u32 s12, $0x1;
	s10 =	sshrl.u32 s10, $0x3  }
0xe: {  	s12 =	simm.s32 $0x2800;
	s8 =	sadd.s32 $0x11600, s11;
	s11 =	simm.s32 $0x2  }
.LBB2_1:
0xf: {  	[spmem:s10], [sflag:s6] =	dma.local [hbm:s5], $0x2800  }
0x10: {  	_ =	swait.ge [sflag:s11], $0x2800  }
0x11: {  	[sflag:s11] =	ssyncset.done $0x0  }
0x12: {  	[sflag:s11] =	ssyncadd.s32 $0xFFFFD800  }
0x13: {  	[tilespmem:s12], [sflag:$0x2] =	stream.linear.gather [hbm4b:s4+s3], $0x4000, $0x38;
	[tilespmem:$0x1A800] =	vst v63  }
0x14: {  	_ =	swait.ge [sflag:s11], $0x4000  }
0x15: {  	[sflag:s11] =	ssyncset.done $0x0  }
0x16: {  	[sflag:s11] =	ssyncadd.s32 $0xFFFFC000  }
0x17: {  	[tilespmem:s3], [sflag:$0x2] =	stream.linear.gather [hbm4b:s7+s3], $0x2800, $0x38;
	[tilespmem:$0x1A800] =	vst v63  }
0x18: {  	_ =	swait.ge [sflag:s11], $0x2800  }
0x19: {  	[sflag:s11] =	ssyncset.done $0x0  }
0x1a: {  	p0 =	por $0x1, $0x1;
	[sflag:s11] =	ssyncadd.s32 $0xFFFFD800  }
0x1b: {  	s18 =	simm.s32 @!p0 $0x1;
	[bflag:$0x0] =	sbarrier.arrive $0xFFFF  }
0x1c: {  	[spmem:s2] =	stream.indirect.scatter.add.f32 [tilespmem:s12], [sflag:$0x1], $0x80, s3, s13, $0xb8;
	[tilespmem:$0x1A800] =	vst v63  }
0x1d: {  	_ =	swait.ge @!p0 [sflag:s18], $0x4000  }
0x1e: {  	s16 =	simm.s32 $0x1;
	s17 =	simm.s32 $0x0;
	[sflag:s18] =	ssyncset.done @!p0 $0x0  }
.LBB2_2:
0x1f: {  	[sflag:s18] =	ssyncadd.s32 @!p0 $0xFFFFC000  }
0x20: {  	s17 =	sadd.s32 $0x80, s17;
	s18 =	smov.u32 s16;
	s16 =	sadd.s32 $0x1, s16  }
0x21: {  	p1 =	sne.s32 s16, $0x50  }
0x22: {  	[spmem:s2] =	stream.indirect.scatter.add.f32 [tilespmem:s12], [sflag:$0x1], $0x80, s17, s13, $0xb8;
	[tilespmem:$0x1A800] =	vst v63  }
.Ltmp0:
0x23: {  	_ = 	snop;
	(pc) =	sbr.rel @p1 .LBB2_2-.Ltmp0, $4  }
0x24: {  	p0 =	slt.u32 s18, $0x8  }
0x25: {  	s18 =	simm.s32 @!p0 $0x1  }
0x26: {  	_ =	swait.ge @!p0 [sflag:s18], $0x4000  }
0x27: {  	[sflag:s18] =	ssyncset.done @!p0 $0x0  }
0x28: {  	[sflag:s18] =	ssyncadd.s32 @!p0 $0xFFFFC000  }
0x29: {  	_ =	swait.ge [sflag:s14], $0x4000  }
0x2a: {  	[sflag:s14] =	ssyncset.done $0x0  }
0x2b: {  	[sflag:s14] =	ssyncadd.s32 $0xFFFFC000  }
0x2c: {  	_ =	swait.ge [sflag:s14], $0x4000  }
0x2d: {  	[sflag:s14] =	ssyncset.done $0x0  }
0x2e: {  	[sflag:s14] =	ssyncadd.s32 $0xFFFFC000  }
0x2f: {  	_ =	swait.ge [sflag:s14], $0x4000  }
0x30: {  	[sflag:s14] =	ssyncset.done $0x0  }
0x31: {  	[sflag:s14] =	ssyncadd.s32 $0xFFFFC000  }
0x32: {  	_ =	swait.ge [sflag:s14], $0x4000  }
0x33: {  	[sflag:s14] =	ssyncset.done $0x0  }
0x34: {  	[sflag:s14] =	ssyncadd.s32 $0xFFFFC000  }
0x35: {  	_ =	swait.ge [sflag:s14], $0x4000  }
0x36: {  	[sflag:s14] =	ssyncset.done $0x0  }
0x37: {  	[sflag:s14] =	ssyncadd.s32 $0xFFFFC000  }
0x38: {  	_ =	swait.ge [sflag:s14], $0x4000  }
0x39: {  	[sflag:s14] =	ssyncset.done $0x0  }
0x3a: {  	[sflag:s14] =	ssyncadd.s32 $0xFFFFC000  }
0x3b: {  	_ =	swait.ge [sflag:s14], $0x4000  }
0x3c: {  	[sflag:s14] =	ssyncset.done $0x0  }
0x3d: {  	[sflag:s14] =	ssyncadd.s32 $0xFFFFC000  }
0x3e: {  	_ =	swait.ge [sflag:s14], $0x4000  }
0x3f: {  	s15 =	sadd.s32 $0x1, s15;
	[sflag:s14] =	ssyncset.done $0x0  }
0x40: {  	p0 =	sne.s32 s15, s9;
	[sflag:s14] =	ssyncadd.s32 $0xFFFFC000  }
.Ltmp1:
0x41: {  	[bflag:$0x0] =	sbarrier.arrive $0xFFFF;
	(pc) =	sbr.rel @p0 .LBB2_1-.Ltmp1, $4  }
0x42: {  	[hbm:s8], [sflag:s6] =	dma.local [spmem:s10], $0x2800  }
0x43: {  	_ =	swait.ge [sflag:s11], $0x2800  }
0x44: {  	[sflag:s11] =	ssyncset.done $0x0  }
0x45: {  	[sflag:s11] =	ssyncadd.s32 $0xFFFFD800  }
0x46: {  	_ =	sfence.sel $0x180000  }
0x47: {  	[bflag:$0x0] =	sbarrier.arrive $0xFFFF  }
0x48: {  	p0 =	sne.s32 s0, $0x0;
	_ =	strace $0x90000047  }
0x49: {  	s0 =	sadd.s32 @!p0 $0x100000, s1;
	[bflag:$0x2] =	sbarrier.arrive $0xFFFF  }
0x4a: {  	[sflag:s0] =	ssyncadd.tile.s32 @!p0 $0x1;
	_ =	shalt  }
.Lfunc_end2:
_tile_overlayer_lowered:
.L_overlay_start_2:
0x4b: {  	(tag) =	ssettag $0x2  }
0x4c: {  	s0 =	rddreg [dreg:$0x0];
	s2 =	stileid.u32  }
0x4d: {  	s1 =	rddreg [dreg:$0x1];
	p0 =	sne.s32 s2, $0x0  }
0x4e: {  	s3 =	rddreg [dreg:$0x2];
	[bflag:$0x3] =	sbarrier.arrive $0xFFFF;
	s2 =	simm.s32 @!p0 $0x1C02  }
0x4f: {  	[timem:s3], [sflag:s2] =	dma.local @!p0 [hbm:s0], s1  }
0x50: {  	s0 =	simm.s32 @!p0 $0x2  }
0x51: {  	_ =	swait.ge @!p0 [sflag:s0], s1  }
0x52: {  	s1 =	ssub.s32 @!p0 $0x0, s1;
	[sflag:s0] =	ssyncset.done @!p0 $0x0  }
0x53: {  	[sflag:s0] =	ssyncadd.s32 @!p0 s1  }
0x54: {  	[bflag:$0x3] =	sbarrier.arrive $0xFFFF  }
0x55: {  	_ =	shalt  }

// kernel: kernel.13.cloned.1.call-start
scs
__scs_entry_jumppad:
0x0: {  	(pc) =	sbr.rel $0x88, $3  }
0x1: {  	(tag) =	ssettag $0x0;
	lr =	simm.s32 $0x1  }
0x2: {  	[smem:$0x3F97] =	sst lr;
	_ =	strace $0xD0000000  }
0x3: {  	_ = 	snop  }
0x4: {  	_ = 	snop  }
0x5: {  	_ = 	snop  }
0x6: {  	_ = 	snop  }
0x7: {  	_ = 	snop  }
__scs_overlays_trampoline_lowered:
0x8: {  	[smem:$0x3FA6] =	sst s0  }
0x9: {  	[smem:$0x3FA7] =	sst s1  }
0xa: {  	[smem:$0x3FA8] =	sst s2  }
0xb: {  	[smem:$0x3FA9] =	sst s3  }
0xc: {  	[smem:$0x3FAA] =	sst s4  }
0xd: {  	[smem:$0x3FAB] =	sst s5  }
0xe: {  	[smem:$0x3FAC] =	sst s6  }
0xf: {  	[smem:$0x3FAD] =	sst s7  }
0x10: {  	[smem:$0x3FAE] =	sst s8  }
0x11: {  	[smem:$0x3FAF] =	sst s9;
	s0 =	simm.s32 @!p0 $0x0  }
0x12: {  	s1 =	sld [smem:$0x3F95];
	s0 =	simm.s32 @p0 $0x1  }
0x13: {  	[smem:$0x3FB0] =	sst s0;
	s0 =	simm.s32 @!p1 $0x0  }
0x14: {  	s2 =	sld [smem:$0x3F94];
	s0 =	simm.s32 @p1 $0x1  }
0x15: {  	[smem:$0x3FB1] =	sst s0;
	s0 =	simm.s32 @!p2 $0x0  }
0x16: {  	s3 =	sld [smem:$0x3FDB];
	s0 =	simm.s32 @p2 $0x1  }
0x17: {  	s4 =	simm.s32 $0x1BF5;
	[smem:$0x3FB3] =	sst s0  }
0x18: {  	s0 =	sld [smem:$0x3F96];
	_ =	swait.ge [sflag:s4], $0x0  }
0x19: {  	s7 =	sld [smem:$0x3F97]  }
0x1a: {  	s8 =	sadd.s32 $0xFFFFE003, lr  }
0x1b: {  	s9 =	sadd.s32 $0xFFFFFEF7, lr;
	s5 =	simm.s32 $0xFFFFFFFF;
	p2 =	slt.u32 s8, $0xFFFFF086  }
0x1c: {  	p1 =	slt.u32 s9, $0xF7A;
	s5 =	simm.s32 @!p2 $0x0  }
0x1d: {  	s5 =	simm.s32 @p1 $0x1;
	p0 =	seq.s32 s7, s2  }
0x1e: {  	s7 =	smul.u32 @!p0 $0xF7A, s2;
	p2 =	seq.s32 @!p0 s5, $0x0  }
0x1f: {  	s9 =	smul.u32 $0xF7A, s1;
	s8 =	simm.s32 @!p0 $0x1BF5;
	p2 =	por !p2, p0  }
0x20: {  	[sflag:s8] =	ssyncset.s32 @!p0 $0xFFFFF086;
	s6 =	sadd.s32 @!p0 s3, s7;
	s7 =	simm.s32 @!p0 $0x108  }
0x21: {  	s3 =	sadd.s32 s3, s9;
	s6 =	sadd.s32 @!p0 $0x88, s6;
	s7 =	simm.s32 @p2 $0x1082  }
0x22: {  	[simem:s7], [sflag:s8] =	dma.local @!p0 [hbm:s6], $0xF7A  }
0x23: {  	s9 =	sor.u32 $0xD0000000, s2;
	s6 =	simm.s32 $0x108;
	_ =	swait.ge @!p0 [sflag:s8], $0x0  }
0x24: {  	s3 =	sadd.s32 $0x88, s3;
	s6 =	simm.s32 @!p1 $0x1082;
	[sflag:s4] =	ssyncset.s32 $0xFFFFF086  }
0x25: {  	[simem:s6], [sflag:s4] =	dma.local [hbm:s3], $0xF7A  }
0x26: {  	[smem:$0x3F97] =	sst s1;
	(tag) =	ssettag s2;
	_ =	strace s9  }
0x27: {  	s1 =	sld [smem:$0x3FA7]  }
0x28: {  	s2 =	sld [smem:$0x3FA8]  }
0x29: {  	s4 =	sld [smem:$0x3FAA]  }
0x2a: {  	p0 =	seq.s32 s5, $0x0;
	s5 =	sld [smem:$0x3FAB]  }
0x2b: {  	s6 =	sld [smem:$0x3FAC]  }
0x2c: {  	s7 =	sld [smem:$0x3FAD]  }
0x2d: {  	s3 =	simm.s32 $0x108;
	s8 =	sld [smem:$0x3FAE]  }
0x2e: {  	s3 =	simm.s32 @!p0 $0x1082;
	s9 =	sld [smem:$0x3FAF]  }
0x2f: {  	lr =	sadd.s32 s0, s3;
	s0 =	sld [smem:$0x3FA6]  }
0x30: {  	s3 =	sld [smem:$0x3FA9]  }
0x31: {  	[smem:$0x3FB2] =	sst s10  }
0x32: {  	s10 =	sld [smem:$0x3FB0];
	_ =	sdelay $0x3  }
0x33: {  	p0 =	seq.s32 s10, $0x1;
	s10 =	sld [smem:$0x3FB2];
	_ =	sdelay $0x3  }
0x34: {  	[smem:$0x3FB2] =	sst s10  }
0x35: {  	s10 =	sld [smem:$0x3FB1];
	_ =	sdelay $0x3  }
0x36: {  	p1 =	seq.s32 s10, $0x1;
	s10 =	sld [smem:$0x3FB2];
	_ =	sdelay $0x3  }
0x37: {  	[smem:$0x3FB2] =	sst s10  }
0x38: {  	s10 =	sld [smem:$0x3FB3]  }
0x39: {  	_ = 	snop;
	(pc) =	sbr.ind lr, $3  }
0x3a: {  	_ = 	snop  }
0x3b: {  	_ = 	snop  }
0x3c: {  	p2 =	seq.s32 s10, $0x1;
	s10 =	sld [smem:$0x3FB2]  }
0x3d: {  	_ =	shalt  }
0x3e: {  	_ =	shalt  }
0x3f: {  	_ =	shalt  }
0x40: {  	_ =	shalt  }
0x41: {  	_ =	shalt  }
0x42: {  	_ =	shalt  }
0x43: {  	_ =	shalt  }
0x44: {  	_ =	shalt  }
0x45: {  	_ =	shalt  }
0x46: {  	_ =	shalt  }
0x47: {  	_ =	shalt  }
0x48: {  	_ =	shalt  }
0x49: {  	_ =	shalt  }
0x4a: {  	_ =	shalt  }
0x4b: {  	_ =	shalt  }
0x4c: {  	_ =	shalt  }
0x4d: {  	_ =	shalt  }
0x4e: {  	_ =	shalt  }
0x4f: {  	_ =	shalt  }
0x50: {  	_ =	shalt  }
0x51: {  	_ =	shalt  }
0x52: {  	_ =	shalt  }
0x53: {  	_ =	shalt  }
0x54: {  	_ =	shalt  }
0x55: {  	_ =	shalt  }
0x56: {  	_ =	shalt  }
0x57: {  	_ =	shalt  }
0x58: {  	_ =	shalt  }
0x59: {  	_ =	shalt  }
0x5a: {  	_ =	shalt  }
0x5b: {  	_ =	shalt  }
0x5c: {  	_ =	shalt  }
0x5d: {  	_ =	shalt  }
0x5e: {  	_ =	shalt  }
0x5f: {  	_ =	shalt  }
0x60: {  	_ =	shalt  }
0x61: {  	_ =	shalt  }
0x62: {  	_ =	shalt  }
0x63: {  	_ =	shalt  }
0x64: {  	_ =	shalt  }
0x65: {  	_ =	shalt  }
0x66: {  	_ =	shalt  }
0x67: {  	_ =	shalt  }
0x68: {  	_ =	shalt  }
0x69: {  	_ =	shalt  }
0x6a: {  	_ =	shalt  }
0x6b: {  	_ =	shalt  }
0x6c: {  	_ =	shalt  }
0x6d: {  	_ =	shalt  }
0x6e: {  	_ =	shalt  }
0x6f: {  	_ =	shalt  }
0x70: {  	_ =	shalt  }
0x71: {  	_ =	shalt  }
0x72: {  	_ =	shalt  }
0x73: {  	_ =	shalt  }
0x74: {  	_ =	shalt  }
0x75: {  	_ =	shalt  }
0x76: {  	_ =	shalt  }
0x77: {  	_ =	shalt  }
0x78: {  	_ =	shalt  }
0x79: {  	_ =	shalt  }
0x7a: {  	_ =	shalt  }
0x7b: {  	_ =	shalt  }
0x7c: {  	_ =	shalt  }
0x7d: {  	_ =	shalt  }
0x7e: {  	_ =	shalt  }
0x7f: {  	_ =	shalt  }
0x80: {  	_ =	shalt  }
0x81: {  	_ =	shalt  }
0x82: {  	_ =	shalt  }
0x83: {  	_ =	shalt  }
0x84: {  	_ =	shalt  }
0x85: {  	_ =	shalt  }
0x86: {  	_ =	shalt  }
0x87: {  	_ =	shalt  }
.Lfunc_end0:
.L_simem_size_0:
called_computation.1_lowered:
.L_overlay_start_0:
0x88: {  	s2 =	sld [smem:$0x3FD9]  }
0x89: {  	s3 =	sld [smem:$0x3FFE];
	_ =	sdelay $0x1  }
0x8a: {  	s1 =	srdreg.scid  }
0x8b: {  	s0 =	sand.u32 $0x1, s1  }
0x8c: {  	s16 =	sshll.u32 s0, $0xA;
	s2 =	sadd.s32 s3, s2  }
0x8d: {  	s2 =	sadd.s32 s2, s16  }
0x8e: {  	[smem:$0x3FBE] =	sst s2  }
0x8f: {  	_ = 	snop  }
0x90: {  	(tm) =	ssettm $0x1  }
0x91: {  	s17 =	sld [smem:$0x3FFB];
	_ =	sdelay $0x3  }
0x92: {  	_ =	strace s17  }
0x93: {  	s2 =	sld [smem:$0x3FFC];
	_ =	sdelay $0x3  }
0x94: {  	_ =	strace s2  }
0x95: {  	s2 =	sld [smem:$0x3FFD];
	_ =	sdelay $0x3  }
0x96: {  	_ =	strace s2  }
0x97: {  	_ =	strace $0x8FFFFFFF  }
0x98: {  	s18 =	sld [smem:$0x3FDB];
	_ =	sdelay $0x1  }
0x99: {  	s19 =	simm.s32 $_scs_section_size  }
0x9a: {  	s4 =	simm.s32 $_size__tile_overlayer_lowered;
	s5 =	simm.s32 $_tile_overlayer_lowered  }
0x9b: {  	s22 =	simm.s32 $0x1BFF;
	s21 =	sshll.u32 s5, $0x1;
	s2 =	sadd.s32 s19, s18  }
0x9c: {  	s6 =	simm.s32 $0x0;
	s20 =	sshll.u32 s4, $0x1;
	s4 =	sadd.s32 s21, s2  }
0x9d: {  	[timem:s6], [sflag:s22] =	dma.local [hbm:s4], s20  }
0x9e: {  	_ =	swait.ge [sflag:s22], s20  }
0x9f: {  	s3 =	ssub.s32 $0x0, s20;
	[sflag:s22] =	ssyncset.done $0x0  }
0xa0: {  	[sflag:s22] =	ssyncadd.s32 s3;
	_ =	sdelay $0x1  }
0xa1: {  	s23 =	simm.s32 $0x1B8B  }
0xa2: {  	_ =	swait.ge [sflag:s23], $0x1  }
0xa3: {  	[sflag:s23] =	ssyncset.done $0x0  }
0xa4: {  	s25 =	simm.s32 $0x1B8E;
	s24 =	sld [smem:$0x3FFE];
	[sflag:s23] =	ssyncadd.s32 $0xFFFFFFFF  }
0xa5: {  	s26 =	simm.s32 $execute0_lowered;
	[smem:$0x3FD2] =	sst s25  }
0xa6: {  	s4 =	sshll.u32 s26, $0x1;
	_ =	strace $0x80000049;
	[dreg:$0x1] =	wrdreg $0xFFFFFFFF  }
0xa7: {  	s28 =	simm.s32 $_size_execute0_lowered;
	s2 =	sadd.s32 s2, s4;
	[dreg:$0x0] =	wrdreg $0x0  }
0xa8: {  	s4 =	sshll.u32 s28, $0x1;
	[dreg:$0x2] =	wrdreg s2  }
0xa9: {  	[dreg:$0x3] =	wrdreg s4  }
0xaa: {  	[dreg:$0x4] =	wrdreg $0xC0  }
0xab: {  	_ =	task [dreg:s6], $0x5FFFF  }
0xac: {  	[dreg:$0x1] =	wrdreg $0xFFFFFFFF  }
0xad: {  	[dreg:$0x0] =	wrdreg $0x60  }
0xae: {  	[dreg:$0x2] =	wrdreg s24  }
0xaf: {  	[dreg:$0x3] =	wrdreg $0xA8000  }
0xb0: {  	[dreg:$0x4] =	wrdreg $0x9  }
0xb1: {  	_ =	task.clear_ibuf [dreg:s6], $0x5FFFF;
	_ =	strace $0x90000049  }
0xb2: {  	s29 =	simm.s32 $0x9;
	_ =	strace $0x8000004B  }
0xb3: {  	_ =	swait.ge [sflag:s29], $0x1  }
0xb4: {  	[sflag:s29] =	ssyncadd.s32 $0xFFFFFFFF  }
0xb5: {  	_ =	strace $0x9000004B  }
0xb6: {  	_ =	sfence  }
0xb7: {  	s30 =	sld [smem:$0x0];
	_ =	sdelay $0x2  }
0xb8: {  	s31 =	sshll.u32 s1, $0xD;
	s1 =	sshrl.u32 s1, $0x2  }
0xb9: {  	s3 =	sand.u32 $0x4000, s31;
	s1 =	sadd.s32 s1, s30  }
0xba: {  	s0 =	sor.u32 s3, s0;
	s1 =	sshll.u32 s1, $0x11  }
0xbb: {  	s0 =	sor.u32 s1, s0  }
0xbc: {  	s0 =	sadd.s32 $0x8F2B, s0  }
0xbd: {  	[sflag:s0] =	ssyncadd.remote.s32 $0x1  }
0xbe: {  	_ =	sfence.sel $0xFFFF  }
0xbf: {  	[dreg:$0x0] =	wrdreg $0xFFFFFFFF;
	(pc) =	sbr.abs _section_cstart, $3  }
0xc0: {  	[dreg:$0x1] =	wrdreg $0xFFFFFFFF  }
0xc1: {  	_ =	task.clear_ibuf [dreg:s6], $0x2FFFF;
	_ =	strace $0x9FFFFFFF  }
0xc2: {  	(tm) =	ssettm $0x7FFFFFFF  }
0xc3: {  	_ =	shalt  }
tec
execute0_lowered:
.L_overlay_start_1:
0x0: {  	(tag) =	ssettag $0x1  }
0x1: {  	s7 =	rddreg [dreg:$0x0]  }
0x2: {  	s1 =	rddreg [dreg:$0x1]  }
0x3: {  	s2 =	srdreg.scid;
	s0 =	rddreg [dreg:$0x2];
	s3 =	simm.s32 $0x0  }
0x4: {  	s15 =	simm.s32 $0x1400;
	s16 =	simm.s32 $0x80;
	s17 =	simm.s32 $0x2800  }
0x5: {  	s18 =	simm.s32 $0x1;
	s19 =	simm.s32 $0x6800;
	s20 =	simm.s32 $0x2780  }
0x6: {  	s21 =	simm.s32 $0x3;
	s10 =	sand.u32 $0x1, s2;
	s2 =	stileid.u32  }
0x7: {  	s22 =	simm.s32 $0x0;
	[smem:$0x7FF] =	sst s3;
	s6 =	smul.u32 $0x2800, s10  }
0x8: {  	s4 =	sadd.s32 $0xC600, s7;
	s5 =	sadd.s32 $0x61600, s7;
	s8 =	smul.u32 $0x280, s2  }
0x9: {  	_ =	strace $0x8000004A;
	s9 =	ssub.s32 $0x2, s10;
	s11 =	smul.u32 $0x50000, s2  }
0xa: {  	s31 =	sshll.u32 s2, $0x6;
	s10 =	smul.u32 $0x50000, s10;
	s12 =	sshrl.u32 s9, $0x1  }
.Ltmp0:
0xb: {  	s8 =	sadd.s32 s8, s6;
	s6 =	sadd.s32 $0x2600, s7;
	(pc) =	sbr.rel .LBB2_1-.Ltmp0, $4  }
0xc: {  	s12 =	ssub.s32 s9, s12;
	s30 =	sshrl.u32 s11, $0x2;
	s9 =	sor.u32 $0x1C04, s31  }
0xd: {  	s8 =	sshll.u32 s8, $0x4;
	s14 =	sadd.s32 s30, s1;
	s12 =	smax.u32 s12, $0x1  }
0xe: {  	s13 =	sadd.s32 s8, s7;
	s7 =	smul.u32 $0xA0, s2;
	s8 =	sadd.s32 s4, s8  }
0xf: {  	s11 =	sadd.s32 $0x75600, s13;
	s13 =	sshrl.u32 s14, $0x3;
	s14 =	simm.s32 $0x4  }
.LBB2_7:
0x10: {  	s22 =	sadd.s32 $0x1, s22  }
0x11: {  	p0 =	sne.s32 s22, s12  }
.Ltmp1:
0x12: {  	[bflag:$0x0] =	sbarrier.arrive $0xFFFF;
	(pc) =	sbr.rel @!p0 .LBB2_8-.Ltmp1, $4  }
0x13: {  	[hbm:s11], [sflag:s9] =	dma.local [spmem:s13], $0x2800  }
0x14: {  	_ =	swait.ge [sflag:s14], $0x2800  }
0x15: {  	[sflag:s14] =	ssyncset.done $0x0  }
0x16: {  	[sflag:s14] =	ssyncadd.s32 $0xFFFFD800  }
.LBB2_1:
0x17: {  	[spmem:s13], [sflag:s9] =	dma.local [hbm:s8], $0x2800  }
.Ltmp2:
0x18: {  	_ =	swait.ge [sflag:s14], $0x2800;
	(pc) =	sbr.rel .LBB2_2-.Ltmp2, $4  }
0x19: {  	[sflag:s14] =	ssyncset.done $0x0  }
0x1a: {  	[sflag:s14] =	ssyncadd.s32 $0xFFFFD800  }
0x1b: {  	[bflag:$0x0] =	sbarrier.arrive $0xFFFF  }
0x1c: {  	s23 =	simm.s32 $0x0  }
.LBB2_4:
0x1d: {  	s24 =	sor.u32 $0x2, s29  }
0x1e: {  	[spmem:s1] =	stream.indirect.scatter.add.f32 [tilespmem:s30], [sflag:s24], $0x80, s20, s16, $0xb8;
	[tilespmem:$0x1E800] =	vst v63  }
.LBB2_6:
0x1f: {  	s23 =	sadd.s32 $0x1, s23  }
0x20: {  	p0 =	sne.s32 s23, $0x4  }
.Ltmp3:
0x21: {  	_ = 	snop;
	(pc) =	sbr.rel @!p0 .LBB2_7-.Ltmp3, $4  }
0x22: {  	_ = 	snop  }
0x23: {  	_ =	swait.ge [sflag:s21], $0x4000  }
0x24: {  	[sflag:s21] =	ssyncset.done $0x0  }
0x25: {  	[sflag:s21] =	ssyncadd.s32 $0xFFFFC000  }
.LBB2_2:
0x26: {  	s24 =	smul.u32 $0x28, s23;
	_ =	sdelay $0x1  }
0x27: {  	s24 =	sadd.s32 s7, s24  }
0x28: {  	s25 =	sshll.u32 s24, $0x7  }
0x29: {  	s25 =	sadd.s32 s10, s25  }
0x2a: {  	s25 =	sshrl.u32 s25, $0x3  }
0x2b: {  	s25 =	sadd.s32 s5, s25  }
0x2c: {  	[tilespmem:s3], [sflag:$0x4] =	stream.linear.gather [hbm4b:s25+s3], $0x1400, $0x38;
	[tilespmem:$0x1E800] =	vst v63  }
0x2d: {  	_ =	swait.ge [sflag:s14], $0x1400  }
0x2e: {  	s24 =	sshll.u32 s24, $0x4;
	[sflag:s14] =	ssyncset.done $0x0  }
0x2f: {  	s24 =	sadd.s32 s6, s24;
	[sflag:s14] =	ssyncadd.s32 $0xFFFFEC00  }
0x30: {  	[tilespmem:s15], [sflag:$0x4] =	stream.linear.gather [hbm4b:s24+s3], $0x1400, $0x38;
	[tilespmem:$0x1E800] =	vst v63  }
0x31: {  	_ =	swait.ge [sflag:s14], $0x1400  }
0x32: {  	[sflag:s14] =	ssyncset.done $0x0  }
0x33: {  	[sflag:s14] =	ssyncadd.s32 $0xFFFFEC00  }
0x34: {  	[tilespmem:s17], [sflag:$0x1] =	stream.indirect.gather [hbm4b:s4+s16], $0x80, s3, s16, $0xb8;
	[tilespmem:$0x1E800] =	vst v63  }
0x35: {  	_ =	swait.ge [sflag:s18], $0x4000  }
0x36: {  	[sflag:s18] =	ssyncset.done $0x0  }
0x37: {  	[sflag:s18] =	ssyncadd.s32 $0xFFFFC000  }
0x38: {  	[tilespmem:s19], [sflag:$0x1] =	stream.indirect.gather [hbm4b:s4+s16], $0x80, s16, s16, $0xb8;
	[tilespmem:$0x1E800] =	vst v63  }
0x39: {  	s26 =	simm.s32 $0x100;
	s25 =	simm.s32 $0x2;
	s24 =	simm.s32 $0x1480  }
0x3a: {  	[spmem:s1] =	stream.indirect.scatter.add.f32 [tilespmem:s17], [sflag:$0x2], $0x80, s15, s16, $0xb8;
	[tilespmem:$0x1E800] =	vst v63  }
.LBB2_3:
0x3b: {  	_ =	swait.ge [sflag:s18], $0x4000;
	p0 =	sne.s32 s25, $0x28  }
.Ltmp4:
0x3c: {  	s28 =	sand.u32 $0x1, s25;
	[sflag:s18] =	ssyncset.done $0x0;
	(pc) =	sbr.rel @!p0 .LBB2_4-.Ltmp4, $4  }
0x3d: {  	s29 =	sadd.s32 $0xFFFFFFFF, s25;
	s31 =	sor.u32 $0x2, s28;
	[sflag:s18] =	ssyncadd.s32 $0xFFFFC000  }
0x3e: {  	s29 =	sand.u32 $0x1, s29;
	_ =	swait.ge [sflag:s31], $0x4000  }
0x3f: {  	s30 =	sshll.u32 s29, $0xE;
	[sflag:s31] =	ssyncset.done $0x0  }
0x40: {  	s30 =	sor.u32 $0x2800, s30;
	[sflag:s31] =	ssyncadd.s32 $0xFFFFC000  }
0x41: {  	s28 =	sshll.u32 s28, $0xE;
	s25 =	sadd.s32 $0x1, s25  }
0x42: {  	s28 =	sor.u32 $0x2800, s28;
	p0 =	sne.s32 s25, $0x29  }
0x43: {  	[tilespmem:s28], [sflag:$0x1] =	stream.indirect.gather [hbm4b:s4+s16], $0x80, s26, s16, $0xb8;
	[tilespmem:$0x1E800] =	vst v63  }
.Ltmp5:
0x44: {  	_ = 	snop;
	(pc) =	sbr.rel @p0 .LBB2_3-.Ltmp5, $4  }
.Ltmp6:
0x45: {  	_ = 	snop;
	(pc) =	sbr.rel @!p0 .LBB2_6-.Ltmp6, $4  }
0x46: {  	s31 =	sor.u32 $0x2, s29  }
0x47: {  	[spmem:s1] =	stream.indirect.scatter.add.f32 [tilespmem:s30], [sflag:s31], $0x80, s24, s16, $0xb8;
	[tilespmem:$0x1E800] =	vst v63  }
0x48: {  	s26 =	sadd.s32 $0x80, s26;
	s24 =	sadd.s32 $0x80, s24  }
0x49: {  	_ = 	snop  }
.LBB2_8:
0x4a: {  	_ =	sfence.sel $0x180000  }
0x4b: {  	[bflag:$0x0] =	sbarrier.arrive $0xFFFF  }
0x4c: {  	p0 =	sne.s32 s2, $0x0;
	_ =	strace $0x9000004A  }
0x4d: {  	s0 =	sadd.s32 @!p0 $0x100000, s0;
	[bflag:$0x2] =	sbarrier.arrive $0xFFFF  }
0x4e: {  	[sflag:s0] =	ssyncadd.tile.s32 @!p0 $0x1;
	_ =	shalt  }
.Lfunc_end2:
_tile_overlayer_lowered:
.L_overlay_start_2:
0x4f: {  	(tag) =	ssettag $0x2  }
0x50: {  	s0 =	rddreg [dreg:$0x0];
	s2 =	stileid.u32  }
0x51: {  	s1 =	rddreg [dreg:$0x1];
	p0 =	sne.s32 s2, $0x0  }
0x52: {  	s3 =	rddreg [dreg:$0x2];
	[bflag:$0x3] =	sbarrier.arrive $0xFFFF;
	s2 =	simm.s32 @!p0 $0x1C04  }
0x53: {  	[timem:s3], [sflag:s2] =	dma.local @!p0 [hbm:s0], s1  }
0x54: {  	s0 =	simm.s32 @!p0 $0x4  }
0x55: {  	_ =	swait.ge @!p0 [sflag:s0], s1  }
0x56: {  	s1 =	ssub.s32 @!p0 $0x0, s1;
	[sflag:s0] =	ssyncset.done @!p0 $0x0  }
0x57: {  	[sflag:s0] =	ssyncadd.s32 @!p0 s1  }
0x58: {  	[bflag:$0x3] =	sbarrier.arrive $0xFFFF  }
0x59: {  	_ =	shalt  }

// kernel: kernel.16.cloned.1.call-start
scs
__scs_entry_jumppad:
0x0: {  	(pc) =	sbr.rel $0x88, $3  }
0x1: {  	(tag) =	ssettag $0x0;
	lr =	simm.s32 $0x1  }
0x2: {  	[smem:$0x3F97] =	sst lr;
	_ =	strace $0xD0000000  }
0x3: {  	_ = 	snop  }
0x4: {  	_ = 	snop  }
0x5: {  	_ = 	snop  }
0x6: {  	_ = 	snop  }
0x7: {  	_ = 	snop  }
__scs_overlays_trampoline_lowered:
0x8: {  	[smem:$0x3FA6] =	sst s0  }
0x9: {  	[smem:$0x3FA7] =	sst s1  }
0xa: {  	[smem:$0x3FA8] =	sst s2  }
0xb: {  	[smem:$0x3FA9] =	sst s3  }
0xc: {  	[smem:$0x3FAA] =	sst s4  }
0xd: {  	[smem:$0x3FAB] =	sst s5  }
0xe: {  	[smem:$0x3FAC] =	sst s6  }
0xf: {  	[smem:$0x3FAD] =	sst s7  }
0x10: {  	[smem:$0x3FAE] =	sst s8  }
0x11: {  	[smem:$0x3FAF] =	sst s9;
	s0 =	simm.s32 @!p0 $0x0  }
0x12: {  	s1 =	sld [smem:$0x3F95];
	s0 =	simm.s32 @p0 $0x1  }
0x13: {  	[smem:$0x3FB0] =	sst s0;
	s0 =	simm.s32 @!p1 $0x0  }
0x14: {  	s2 =	sld [smem:$0x3F94];
	s0 =	simm.s32 @p1 $0x1  }
0x15: {  	[smem:$0x3FB1] =	sst s0;
	s0 =	simm.s32 @!p2 $0x0  }
0x16: {  	s3 =	sld [smem:$0x3FDB];
	s0 =	simm.s32 @p2 $0x1  }
0x17: {  	s4 =	simm.s32 $0x1BF5;
	[smem:$0x3FB3] =	sst s0  }
0x18: {  	s0 =	sld [smem:$0x3F96];
	_ =	swait.ge [sflag:s4], $0x0  }
0x19: {  	s7 =	sld [smem:$0x3F97]  }
0x1a: {  	s8 =	sadd.s32 $0xFFFFE003, lr  }
0x1b: {  	s9 =	sadd.s32 $0xFFFFFEF7, lr;
	s5 =	simm.s32 $0xFFFFFFFF;
	p2 =	slt.u32 s8, $0xFFFFF086  }
0x1c: {  	p1 =	slt.u32 s9, $0xF7A;
	s5 =	simm.s32 @!p2 $0x0  }
0x1d: {  	s5 =	simm.s32 @p1 $0x1;
	p0 =	seq.s32 s7, s2  }
0x1e: {  	s7 =	smul.u32 @!p0 $0xF7A, s2;
	p2 =	seq.s32 @!p0 s5, $0x0  }
0x1f: {  	s9 =	smul.u32 $0xF7A, s1;
	s8 =	simm.s32 @!p0 $0x1BF5;
	p2 =	por !p2, p0  }
0x20: {  	[sflag:s8] =	ssyncset.s32 @!p0 $0xFFFFF086;
	s6 =	sadd.s32 @!p0 s3, s7;
	s7 =	simm.s32 @!p0 $0x108  }
0x21: {  	s3 =	sadd.s32 s3, s9;
	s6 =	sadd.s32 @!p0 $0x88, s6;
	s7 =	simm.s32 @p2 $0x1082  }
0x22: {  	[simem:s7], [sflag:s8] =	dma.local @!p0 [hbm:s6], $0xF7A  }
0x23: {  	s9 =	sor.u32 $0xD0000000, s2;
	s6 =	simm.s32 $0x108;
	_ =	swait.ge @!p0 [sflag:s8], $0x0  }
0x24: {  	s3 =	sadd.s32 $0x88, s3;
	s6 =	simm.s32 @!p1 $0x1082;
	[sflag:s4] =	ssyncset.s32 $0xFFFFF086  }
0x25: {  	[simem:s6], [sflag:s4] =	dma.local [hbm:s3], $0xF7A  }
0x26: {  	[smem:$0x3F97] =	sst s1;
	(tag) =	ssettag s2;
	_ =	strace s9  }
0x27: {  	s1 =	sld [smem:$0x3FA7]  }
0x28: {  	s2 =	sld [smem:$0x3FA8]  }
0x29: {  	s4 =	sld [smem:$0x3FAA]  }
0x2a: {  	p0 =	seq.s32 s5, $0x0;
	s5 =	sld [smem:$0x3FAB]  }
0x2b: {  	s6 =	sld [smem:$0x3FAC]  }
0x2c: {  	s7 =	sld [smem:$0x3FAD]  }
0x2d: {  	s3 =	simm.s32 $0x108;
	s8 =	sld [smem:$0x3FAE]  }
0x2e: {  	s3 =	simm.s32 @!p0 $0x1082;
	s9 =	sld [smem:$0x3FAF]  }
0x2f: {  	lr =	sadd.s32 s0, s3;
	s0 =	sld [smem:$0x3FA6]  }
0x30: {  	s3 =	sld [smem:$0x3FA9]  }
0x31: {  	[smem:$0x3FB2] =	sst s10  }
0x32: {  	s10 =	sld [smem:$0x3FB0];
	_ =	sdelay $0x3  }
0x33: {  	p0 =	seq.s32 s10, $0x1;
	s10 =	sld [smem:$0x3FB2];
	_ =	sdelay $0x3  }
0x34: {  	[smem:$0x3FB2] =	sst s10  }
0x35: {  	s10 =	sld [smem:$0x3FB1];
	_ =	sdelay $0x3  }
0x36: {  	p1 =	seq.s32 s10, $0x1;
	s10 =	sld [smem:$0x3FB2];
	_ =	sdelay $0x3  }
0x37: {  	[smem:$0x3FB2] =	sst s10  }
0x38: {  	s10 =	sld [smem:$0x3FB3]  }
0x39: {  	_ = 	snop;
	(pc) =	sbr.ind lr, $3  }
0x3a: {  	_ = 	snop  }
0x3b: {  	_ = 	snop  }
0x3c: {  	p2 =	seq.s32 s10, $0x1;
	s10 =	sld [smem:$0x3FB2]  }
0x3d: {  	_ =	shalt  }
0x3e: {  	_ =	shalt  }
0x3f: {  	_ =	shalt  }
0x40: {  	_ =	shalt  }
0x41: {  	_ =	shalt  }
0x42: {  	_ =	shalt  }
0x43: {  	_ =	shalt  }
0x44: {  	_ =	shalt  }
0x45: {  	_ =	shalt  }
0x46: {  	_ =	shalt  }
0x47: {  	_ =	shalt  }
0x48: {  	_ =	shalt  }
0x49: {  	_ =	shalt  }
0x4a: {  	_ =	shalt  }
0x4b: {  	_ =	shalt  }
0x4c: {  	_ =	shalt  }
0x4d: {  	_ =	shalt  }
0x4e: {  	_ =	shalt  }
0x4f: {  	_ =	shalt  }
0x50: {  	_ =	shalt  }
0x51: {  	_ =	shalt  }
0x52: {  	_ =	shalt  }
0x53: {  	_ =	shalt  }
0x54: {  	_ =	shalt  }
0x55: {  	_ =	shalt  }
0x56: {  	_ =	shalt  }
0x57: {  	_ =	shalt  }
0x58: {  	_ =	shalt  }
0x59: {  	_ =	shalt  }
0x5a: {  	_ =	shalt  }
0x5b: {  	_ =	shalt  }
0x5c: {  	_ =	shalt  }
0x5d: {  	_ =	shalt  }
0x5e: {  	_ =	shalt  }
0x5f: {  	_ =	shalt  }
0x60: {  	_ =	shalt  }
0x61: {  	_ =	shalt  }
0x62: {  	_ =	shalt  }
0x63: {  	_ =	shalt  }
0x64: {  	_ =	shalt  }
0x65: {  	_ =	shalt  }
0x66: {  	_ =	shalt  }
0x67: {  	_ =	shalt  }
0x68: {  	_ =	shalt  }
0x69: {  	_ =	shalt  }
0x6a: {  	_ =	shalt  }
0x6b: {  	_ =	shalt  }
0x6c: {  	_ =	shalt  }
0x6d: {  	_ =	shalt  }
0x6e: {  	_ =	shalt  }
0x6f: {  	_ =	shalt  }
0x70: {  	_ =	shalt  }
0x71: {  	_ =	shalt  }
0x72: {  	_ =	shalt  }
0x73: {  	_ =	shalt  }
0x74: {  	_ =	shalt  }
0x75: {  	_ =	shalt  }
0x76: {  	_ =	shalt  }
0x77: {  	_ =	shalt  }
0x78: {  	_ =	shalt  }
0x79: {  	_ =	shalt  }
0x7a: {  	_ =	shalt  }
0x7b: {  	_ =	shalt  }
0x7c: {  	_ =	shalt  }
0x7d: {  	_ =	shalt  }
0x7e: {  	_ =	shalt  }
0x7f: {  	_ =	shalt  }
0x80: {  	_ =	shalt  }
0x81: {  	_ =	shalt  }
0x82: {  	_ =	shalt  }
0x83: {  	_ =	shalt  }
0x84: {  	_ =	shalt  }
0x85: {  	_ =	shalt  }
0x86: {  	_ =	shalt  }
0x87: {  	_ =	shalt  }
.Lfunc_end0:
.L_simem_size_0:
called_computation.2_lowered:
.L_overlay_start_0:
0x88: {  	s2 =	sld [smem:$0x3FD9]  }
0x89: {  	s3 =	sld [smem:$0x3FFE];
	_ =	sdelay $0x1  }
0x8a: {  	s1 =	srdreg.scid  }
0x8b: {  	s0 =	sand.u32 $0x1, s1  }
0x8c: {  	s16 =	sshll.u32 s0, $0xA;
	s2 =	sadd.s32 s3, s2  }
0x8d: {  	s2 =	sadd.s32 s2, s16  }
0x8e: {  	[smem:$0x3FBE] =	sst s2  }
0x8f: {  	_ = 	snop  }
0x90: {  	(tm) =	ssettm $0x1  }
0x91: {  	s17 =	sld [smem:$0x3FFB];
	_ =	sdelay $0x3  }
0x92: {  	_ =	strace s17  }
0x93: {  	s2 =	sld [smem:$0x3FFC];
	_ =	sdelay $0x3  }
0x94: {  	_ =	strace s2  }
0x95: {  	s2 =	sld [smem:$0x3FFD];
	_ =	sdelay $0x3  }
0x96: {  	_ =	strace s2  }
0x97: {  	_ =	strace $0x8FFFFFFF  }
0x98: {  	s18 =	sld [smem:$0x3FDB];
	_ =	sdelay $0x1  }
0x99: {  	s19 =	simm.s32 $_scs_section_size  }
0x9a: {  	s4 =	simm.s32 $_size__tile_overlayer_lowered;
	s5 =	simm.s32 $_tile_overlayer_lowered  }
0x9b: {  	s22 =	simm.s32 $0x1BFF;
	s21 =	sshll.u32 s5, $0x1;
	s2 =	sadd.s32 s19, s18  }
0x9c: {  	s6 =	simm.s32 $0x0;
	s20 =	sshll.u32 s4, $0x1;
	s4 =	sadd.s32 s21, s2  }
0x9d: {  	[timem:s6], [sflag:s22] =	dma.local [hbm:s4], s20  }
0x9e: {  	_ =	swait.ge [sflag:s22], s20  }
0x9f: {  	s3 =	ssub.s32 $0x0, s20;
	[sflag:s22] =	ssyncset.done $0x0  }
0xa0: {  	[sflag:s22] =	ssyncadd.s32 s3;
	_ =	sdelay $0x1  }
0xa1: {  	s23 =	simm.s32 $0x1B8B  }
0xa2: {  	_ =	swait.ge [sflag:s23], $0x1  }
0xa3: {  	[sflag:s23] =	ssyncset.done $0x0  }
0xa4: {  	s25 =	simm.s32 $0x1B8E;
	s24 =	sld [smem:$0x3FFE];
	[sflag:s23] =	ssyncadd.s32 $0xFFFFFFFF  }
0xa5: {  	s26 =	simm.s32 $execute0_lowered;
	[smem:$0x3FD2] =	sst s25  }
0xa6: {  	s4 =	sshll.u32 s26, $0x1;
	_ =	strace $0x8000004C;
	[dreg:$0x1] =	wrdreg $0xFFFFFFFF  }
0xa7: {  	s28 =	simm.s32 $_size_execute0_lowered;
	s2 =	sadd.s32 s2, s4;
	[dreg:$0x0] =	wrdreg $0x0  }
0xa8: {  	s4 =	sshll.u32 s28, $0x1;
	[dreg:$0x2] =	wrdreg s2  }
0xa9: {  	[dreg:$0x3] =	wrdreg s4  }
0xaa: {  	[dreg:$0x4] =	wrdreg $0xC0  }
0xab: {  	_ =	task [dreg:s6], $0x5FFFF  }
0xac: {  	[dreg:$0x1] =	wrdreg $0xFFFFFFFF  }
0xad: {  	[dreg:$0x0] =	wrdreg $0x60  }
0xae: {  	[dreg:$0x2] =	wrdreg s24  }
0xaf: {  	[dreg:$0x3] =	wrdreg $0xA8000  }
0xb0: {  	[dreg:$0x4] =	wrdreg $0x9  }
0xb1: {  	_ =	task.clear_ibuf [dreg:s6], $0x5FFFF;
	_ =	strace $0x9000004C  }
0xb2: {  	s29 =	simm.s32 $0x9;
	_ =	strace $0x8000004E  }
0xb3: {  	_ =	swait.ge [sflag:s29], $0x1  }
0xb4: {  	[sflag:s29] =	ssyncadd.s32 $0xFFFFFFFF  }
0xb5: {  	_ =	strace $0x9000004E  }
0xb6: {  	_ =	sfence  }
0xb7: {  	s30 =	sld [smem:$0x0];
	_ =	sdelay $0x2  }
0xb8: {  	s31 =	sshll.u32 s1, $0xD;
	s1 =	sshrl.u32 s1, $0x2  }
0xb9: {  	s3 =	sand.u32 $0x4000, s31;
	s1 =	sadd.s32 s1, s30  }
0xba: {  	s0 =	sor.u32 s3, s0;
	s1 =	sshll.u32 s1, $0x11  }
0xbb: {  	s0 =	sor.u32 s1, s0  }
0xbc: {  	s0 =	sadd.s32 $0x8F2B, s0  }
0xbd: {  	[sflag:s0] =	ssyncadd.remote.s32 $0x1  }
0xbe: {  	_ =	sfence.sel $0xFFFF  }
0xbf: {  	[dreg:$0x0] =	wrdreg $0xFFFFFFFF;
	(pc) =	sbr.abs _section_cstart, $3  }
0xc0: {  	[dreg:$0x1] =	wrdreg $0xFFFFFFFF  }
0xc1: {  	_ =	task.clear_ibuf [dreg:s6], $0x2FFFF;
	_ =	strace $0x9FFFFFFF  }
0xc2: {  	(tm) =	ssettm $0x7FFFFFFF  }
0xc3: {  	_ =	shalt  }
tec
execute0_lowered:
.L_overlay_start_1:
0x0: {  	(tag) =	ssettag $0x1  }
0x1: {  	s7 =	rddreg [dreg:$0x0]  }
0x2: {  	s1 =	rddreg [dreg:$0x1]  }
0x3: {  	s2 =	srdreg.scid;
	s0 =	rddreg [dreg:$0x2];
	s3 =	simm.s32 $0x0  }
0x4: {  	s15 =	simm.s32 $0x1400;
	s16 =	simm.s32 $0x80;
	s17 =	simm.s32 $0x2800  }
0x5: {  	s18 =	simm.s32 $0x1;
	s19 =	simm.s32 $0x6800;
	s20 =	simm.s32 $0x2780  }
0x6: {  	s21 =	simm.s32 $0x3;
	s10 =	sand.u32 $0x1, s2;
	s2 =	stileid.u32  }
0x7: {  	s22 =	simm.s32 $0x0;
	[smem:$0x7FF] =	sst s3;
	s6 =	smul.u32 $0x2800, s10  }
0x8: {  	s4 =	sadd.s32 $0xC600, s7;
	s5 =	sadd.s32 $0x61600, s7;
	s8 =	smul.u32 $0x280, s2  }
0x9: {  	_ =	strace $0x8000004D;
	s9 =	ssub.s32 $0x2, s10;
	s11 =	smul.u32 $0x50000, s2  }
0xa: {  	s31 =	sshll.u32 s2, $0x6;
	s10 =	smul.u32 $0x50000, s10;
	s12 =	sshrl.u32 s9, $0x1  }
.Ltmp0:
0xb: {  	s8 =	sadd.s32 s8, s6;
	s6 =	sadd.s32 $0x2600, s7;
	(pc) =	sbr.rel .LBB2_1-.Ltmp0, $4  }
0xc: {  	s12 =	ssub.s32 s9, s12;
	s30 =	sshrl.u32 s11, $0x2;
	s9 =	sor.u32 $0x1C04, s31  }
0xd: {  	s8 =	sshll.u32 s8, $0x4;
	s14 =	sadd.s32 s30, s1;
	s12 =	smax.u32 s12, $0x1  }
0xe: {  	s13 =	sadd.s32 s8, s7;
	s7 =	smul.u32 $0xA0, s2;
	s8 =	sadd.s32 s4, s8  }
0xf: {  	s11 =	sadd.s32 $0xC5600, s13;
	s13 =	sshrl.u32 s14, $0x3;
	s14 =	simm.s32 $0x4  }
.LBB2_7:
0x10: {  	s22 =	sadd.s32 $0x1, s22  }
0x11: {  	p0 =	sne.s32 s22, s12  }
.Ltmp1:
0x12: {  	[bflag:$0x0] =	sbarrier.arrive $0xFFFF;
	(pc) =	sbr.rel @!p0 .LBB2_8-.Ltmp1, $4  }
0x13: {  	[hbm:s11], [sflag:s9] =	dma.local [spmem:s13], $0x2800  }
0x14: {  	_ =	swait.ge [sflag:s14], $0x2800  }
0x15: {  	[sflag:s14] =	ssyncset.done $0x0  }
0x16: {  	[sflag:s14] =	ssyncadd.s32 $0xFFFFD800  }
.LBB2_1:
0x17: {  	[spmem:s13], [sflag:s9] =	dma.local [hbm:s8], $0x2800  }
.Ltmp2:
0x18: {  	_ =	swait.ge [sflag:s14], $0x2800;
	(pc) =	sbr.rel .LBB2_2-.Ltmp2, $4  }
0x19: {  	[sflag:s14] =	ssyncset.done $0x0  }
0x1a: {  	[sflag:s14] =	ssyncadd.s32 $0xFFFFD800  }
0x1b: {  	[bflag:$0x0] =	sbarrier.arrive $0xFFFF  }
0x1c: {  	s23 =	simm.s32 $0x0  }
.LBB2_4:
0x1d: {  	s24 =	sor.u32 $0x2, s29  }
0x1e: {  	[spmem:s1] =	stream.indirect.scatter.add.f32 [tilespmem:s30], [sflag:s24], $0x80, s20, s16, $0xb8;
	[tilespmem:$0x1E800] =	vst v63  }
.LBB2_6:
0x1f: {  	s23 =	sadd.s32 $0x1, s23  }
0x20: {  	p0 =	sne.s32 s23, $0x4  }
.Ltmp3:
0x21: {  	_ = 	snop;
	(pc) =	sbr.rel @!p0 .LBB2_7-.Ltmp3, $4  }
0x22: {  	_ = 	snop  }
0x23: {  	_ =	swait.ge [sflag:s21], $0x4000  }
0x24: {  	[sflag:s21] =	ssyncset.done $0x0  }
0x25: {  	[sflag:s21] =	ssyncadd.s32 $0xFFFFC000  }
.LBB2_2:
0x26: {  	s24 =	smul.u32 $0x28, s23;
	_ =	sdelay $0x1  }
0x27: {  	s24 =	sadd.s32 s7, s24  }
0x28: {  	s25 =	sshll.u32 s24, $0x7  }
0x29: {  	s25 =	sadd.s32 s10, s25  }
0x2a: {  	s25 =	sshrl.u32 s25, $0x3  }
0x2b: {  	s25 =	sadd.s32 s5, s25  }
0x2c: {  	[tilespmem:s3], [sflag:$0x4] =	stream.linear.gather [hbm4b:s25+s3], $0x1400, $0x38;
	[tilespmem:$0x1E800] =	vst v63  }
0x2d: {  	_ =	swait.ge [sflag:s14], $0x1400  }
0x2e: {  	s24 =	sshll.u32 s24, $0x4;
	[sflag:s14] =	ssyncset.done $0x0  }
0x2f: {  	s24 =	sadd.s32 s6, s24;
	[sflag:s14] =	ssyncadd.s32 $0xFFFFEC00  }
0x30: {  	[tilespmem:s15], [sflag:$0x4] =	stream.linear.gather [hbm4b:s24+s3], $0x1400, $0x38;
	[tilespmem:$0x1E800] =	vst v63  }
0x31: {  	_ =	swait.ge [sflag:s14], $0x1400  }
0x32: {  	[sflag:s14] =	ssyncset.done $0x0  }
0x33: {  	[sflag:s14] =	ssyncadd.s32 $0xFFFFEC00  }
0x34: {  	[tilespmem:s17], [sflag:$0x1] =	stream.indirect.gather [hbm4b:s4+s16], $0x80, s3, s16, $0xb8;
	[tilespmem:$0x1E800] =	vst v63  }
0x35: {  	_ =	swait.ge [sflag:s18], $0x4000  }
0x36: {  	[sflag:s18] =	ssyncset.done $0x0  }
0x37: {  	[sflag:s18] =	ssyncadd.s32 $0xFFFFC000  }
0x38: {  	[tilespmem:s19], [sflag:$0x1] =	stream.indirect.gather [hbm4b:s4+s16], $0x80, s16, s16, $0xb8;
	[tilespmem:$0x1E800] =	vst v63  }
0x39: {  	s26 =	simm.s32 $0x100;
	s25 =	simm.s32 $0x2;
	s24 =	simm.s32 $0x1480  }
0x3a: {  	[spmem:s1] =	stream.indirect.scatter.add.f32 [tilespmem:s17], [sflag:$0x2], $0x80, s15, s16, $0xb8;
	[tilespmem:$0x1E800] =	vst v63  }
.LBB2_3:
0x3b: {  	_ =	swait.ge [sflag:s18], $0x4000;
	p0 =	sne.s32 s25, $0x28  }
.Ltmp4:
0x3c: {  	s28 =	sand.u32 $0x1, s25;
	[sflag:s18] =	ssyncset.done $0x0;
	(pc) =	sbr.rel @!p0 .LBB2_4-.Ltmp4, $4  }
0x3d: {  	s29 =	sadd.s32 $0xFFFFFFFF, s25;
	s31 =	sor.u32 $0x2, s28;
	[sflag:s18] =	ssyncadd.s32 $0xFFFFC000  }
0x3e: {  	s29 =	sand.u32 $0x1, s29;
	_ =	swait.ge [sflag:s31], $0x4000  }
0x3f: {  	s30 =	sshll.u32 s29, $0xE;
	[sflag:s31] =	ssyncset.done $0x0  }
0x40: {  	s30 =	sor.u32 $0x2800, s30;
	[sflag:s31] =	ssyncadd.s32 $0xFFFFC000  }
0x41: {  	s28 =	sshll.u32 s28, $0xE;
	s25 =	sadd.s32 $0x1, s25  }
0x42: {  	s28 =	sor.u32 $0x2800, s28;
	p0 =	sne.s32 s25, $0x29  }
0x43: {  	[tilespmem:s28], [sflag:$0x1] =	stream.indirect.gather [hbm4b:s4+s16], $0x80, s26, s16, $0xb8;
	[tilespmem:$0x1E800] =	vst v63  }
.Ltmp5:
0x44: {  	_ = 	snop;
	(pc) =	sbr.rel @p0 .LBB2_3-.Ltmp5, $4  }
.Ltmp6:
0x45: {  	_ = 	snop;
	(pc) =	sbr.rel @!p0 .LBB2_6-.Ltmp6, $4  }
0x46: {  	s31 =	sor.u32 $0x2, s29  }
0x47: {  	[spmem:s1] =	stream.indirect.scatter.add.f32 [tilespmem:s30], [sflag:s31], $0x80, s24, s16, $0xb8;
	[tilespmem:$0x1E800] =	vst v63  }
0x48: {  	s26 =	sadd.s32 $0x80, s26;
	s24 =	sadd.s32 $0x80, s24  }
0x49: {  	_ = 	snop  }
.LBB2_8:
0x4a: {  	_ =	sfence.sel $0x180000  }
0x4b: {  	[bflag:$0x0] =	sbarrier.arrive $0xFFFF  }
0x4c: {  	p0 =	sne.s32 s2, $0x0;
	_ =	strace $0x9000004D  }
0x4d: {  	s0 =	sadd.s32 @!p0 $0x100000, s0;
	[bflag:$0x2] =	sbarrier.arrive $0xFFFF  }
0x4e: {  	[sflag:s0] =	ssyncadd.tile.s32 @!p0 $0x1;
	_ =	shalt  }
.Lfunc_end2:
_tile_overlayer_lowered:
.L_overlay_start_2:
0x4f: {  	(tag) =	ssettag $0x2  }
0x50: {  	s0 =	rddreg [dreg:$0x0];
	s2 =	stileid.u32  }
0x51: {  	s1 =	rddreg [dreg:$0x1];
	p0 =	sne.s32 s2, $0x0  }
0x52: {  	s3 =	rddreg [dreg:$0x2];
	[bflag:$0x3] =	sbarrier.arrive $0xFFFF;
	s2 =	simm.s32 @!p0 $0x1C04  }
0x53: {  	[timem:s3], [sflag:s2] =	dma.local @!p0 [hbm:s0], s1  }
0x54: {  	s0 =	simm.s32 @!p0 $0x4  }
0x55: {  	_ =	swait.ge @!p0 [sflag:s0], s1  }
0x56: {  	s1 =	ssub.s32 @!p0 $0x0, s1;
	[sflag:s0] =	ssyncset.done @!p0 $0x0  }
0x57: {  	[sflag:s0] =	ssyncadd.s32 @!p0 s1  }
0x58: {  	[bflag:$0x3] =	sbarrier.arrive $0xFFFF  }
0x59: {  	_ =	shalt  }

// kernel: kernel.19.cloned.1.call-start
scs
__scs_entry_jumppad:
0x0: {  	(pc) =	sbr.rel $0x88, $3  }
0x1: {  	(tag) =	ssettag $0x0;
	lr =	simm.s32 $0x1  }
0x2: {  	[smem:$0x3F97] =	sst lr;
	_ =	strace $0xD0000000  }
0x3: {  	_ = 	snop  }
0x4: {  	_ = 	snop  }
0x5: {  	_ = 	snop  }
0x6: {  	_ = 	snop  }
0x7: {  	_ = 	snop  }
__scs_overlays_trampoline_lowered:
0x8: {  	[smem:$0x3FA6] =	sst s0  }
0x9: {  	[smem:$0x3FA7] =	sst s1  }
0xa: {  	[smem:$0x3FA8] =	sst s2  }
0xb: {  	[smem:$0x3FA9] =	sst s3  }
0xc: {  	[smem:$0x3FAA] =	sst s4  }
0xd: {  	[smem:$0x3FAB] =	sst s5  }
0xe: {  	[smem:$0x3FAC] =	sst s6  }
0xf: {  	[smem:$0x3FAD] =	sst s7  }
0x10: {  	[smem:$0x3FAE] =	sst s8  }
0x11: {  	[smem:$0x3FAF] =	sst s9;
	s0 =	simm.s32 @!p0 $0x0  }
0x12: {  	s1 =	sld [smem:$0x3F95];
	s0 =	simm.s32 @p0 $0x1  }
0x13: {  	[smem:$0x3FB0] =	sst s0;
	s0 =	simm.s32 @!p1 $0x0  }
0x14: {  	s2 =	sld [smem:$0x3F94];
	s0 =	simm.s32 @p1 $0x1  }
0x15: {  	[smem:$0x3FB1] =	sst s0;
	s0 =	simm.s32 @!p2 $0x0  }
0x16: {  	s3 =	sld [smem:$0x3FDB];
	s0 =	simm.s32 @p2 $0x1  }
0x17: {  	s4 =	simm.s32 $0x1BF5;
	[smem:$0x3FB3] =	sst s0  }
0x18: {  	s0 =	sld [smem:$0x3F96];
	_ =	swait.ge [sflag:s4], $0x0  }
0x19: {  	s7 =	sld [smem:$0x3F97]  }
0x1a: {  	s8 =	sadd.s32 $0xFFFFE003, lr  }
0x1b: {  	s9 =	sadd.s32 $0xFFFFFEF7, lr;
	s5 =	simm.s32 $0xFFFFFFFF;
	p2 =	slt.u32 s8, $0xFFFFF086  }
0x1c: {  	p1 =	slt.u32 s9, $0xF7A;
	s5 =	simm.s32 @!p2 $0x0  }
0x1d: {  	s5 =	simm.s32 @p1 $0x1;
	p0 =	seq.s32 s7, s2  }
0x1e: {  	s7 =	smul.u32 @!p0 $0xF7A, s2;
	p2 =	seq.s32 @!p0 s5, $0x0  }
0x1f: {  	s9 =	smul.u32 $0xF7A, s1;
	s8 =	simm.s32 @!p0 $0x1BF5;
	p2 =	por !p2, p0  }
0x20: {  	[sflag:s8] =	ssyncset.s32 @!p0 $0xFFFFF086;
	s6 =	sadd.s32 @!p0 s3, s7;
	s7 =	simm.s32 @!p0 $0x108  }
0x21: {  	s3 =	sadd.s32 s3, s9;
	s6 =	sadd.s32 @!p0 $0x88, s6;
	s7 =	simm.s32 @p2 $0x1082  }
0x22: {  	[simem:s7], [sflag:s8] =	dma.local @!p0 [hbm:s6], $0xF7A  }
0x23: {  	s9 =	sor.u32 $0xD0000000, s2;
	s6 =	simm.s32 $0x108;
	_ =	swait.ge @!p0 [sflag:s8], $0x0  }
0x24: {  	s3 =	sadd.s32 $0x88, s3;
	s6 =	simm.s32 @!p1 $0x1082;
	[sflag:s4] =	ssyncset.s32 $0xFFFFF086  }
0x25: {  	[simem:s6], [sflag:s4] =	dma.local [hbm:s3], $0xF7A  }
0x26: {  	[smem:$0x3F97] =	sst s1;
	(tag) =	ssettag s2;
	_ =	strace s9  }
0x27: {  	s1 =	sld [smem:$0x3FA7]  }
0x28: {  	s2 =	sld [smem:$0x3FA8]  }
0x29: {  	s4 =	sld [smem:$0x3FAA]  }
0x2a: {  	p0 =	seq.s32 s5, $0x0;
	s5 =	sld [smem:$0x3FAB]  }
0x2b: {  	s6 =	sld [smem:$0x3FAC]  }
0x2c: {  	s7 =	sld [smem:$0x3FAD]  }
0x2d: {  	s3 =	simm.s32 $0x108;
	s8 =	sld [smem:$0x3FAE]  }
0x2e: {  	s3 =	simm.s32 @!p0 $0x1082;
	s9 =	sld [smem:$0x3FAF]  }
0x2f: {  	lr =	sadd.s32 s0, s3;
	s0 =	sld [smem:$0x3FA6]  }
0x30: {  	s3 =	sld [smem:$0x3FA9]  }
0x31: {  	[smem:$0x3FB2] =	sst s10  }
0x32: {  	s10 =	sld [smem:$0x3FB0];
	_ =	sdelay $0x3  }
0x33: {  	p0 =	seq.s32 s10, $0x1;
	s10 =	sld [smem:$0x3FB2];
	_ =	sdelay $0x3  }
0x34: {  	[smem:$0x3FB2] =	sst s10  }
0x35: {  	s10 =	sld [smem:$0x3FB1];
	_ =	sdelay $0x3  }
0x36: {  	p1 =	seq.s32 s10, $0x1;
	s10 =	sld [smem:$0x3FB2];
	_ =	sdelay $0x3  }
0x37: {  	[smem:$0x3FB2] =	sst s10  }
0x38: {  	s10 =	sld [smem:$0x3FB3]  }
0x39: {  	_ = 	snop;
	(pc) =	sbr.ind lr, $3  }
0x3a: {  	_ = 	snop  }
0x3b: {  	_ = 	snop  }
0x3c: {  	p2 =	seq.s32 s10, $0x1;
	s10 =	sld [smem:$0x3FB2]  }
0x3d: {  	_ =	shalt  }
0x3e: {  	_ =	shalt  }
0x3f: {  	_ =	shalt  }
0x40: {  	_ =	shalt  }
0x41: {  	_ =	shalt  }
0x42: {  	_ =	shalt  }
0x43: {  	_ =	shalt  }
0x44: {  	_ =	shalt  }
0x45: {  	_ =	shalt  }
0x46: {  	_ =	shalt  }
0x47: {  	_ =	shalt  }
0x48: {  	_ =	shalt  }
0x49: {  	_ =	shalt  }
0x4a: {  	_ =	shalt  }
0x4b: {  	_ =	shalt  }
0x4c: {  	_ =	shalt  }
0x4d: {  	_ =	shalt  }
0x4e: {  	_ =	shalt  }
0x4f: {  	_ =	shalt  }
0x50: {  	_ =	shalt  }
0x51: {  	_ =	shalt  }
0x52: {  	_ =	shalt  }
0x53: {  	_ =	shalt  }
0x54: {  	_ =	shalt  }
0x55: {  	_ =	shalt  }
0x56: {  	_ =	shalt  }
0x57: {  	_ =	shalt  }
0x58: {  	_ =	shalt  }
0x59: {  	_ =	shalt  }
0x5a: {  	_ =	shalt  }
0x5b: {  	_ =	shalt  }
0x5c: {  	_ =	shalt  }
0x5d: {  	_ =	shalt  }
0x5e: {  	_ =	shalt  }
0x5f: {  	_ =	shalt  }
0x60: {  	_ =	shalt  }
0x61: {  	_ =	shalt  }
0x62: {  	_ =	shalt  }
0x63: {  	_ =	shalt  }
0x64: {  	_ =	shalt  }
0x65: {  	_ =	shalt  }
0x66: {  	_ =	shalt  }
0x67: {  	_ =	shalt  }
0x68: {  	_ =	shalt  }
0x69: {  	_ =	shalt  }
0x6a: {  	_ =	shalt  }
0x6b: {  	_ =	shalt  }
0x6c: {  	_ =	shalt  }
0x6d: {  	_ =	shalt  }
0x6e: {  	_ =	shalt  }
0x6f: {  	_ =	shalt  }
0x70: {  	_ =	shalt  }
0x71: {  	_ =	shalt  }
0x72: {  	_ =	shalt  }
0x73: {  	_ =	shalt  }
0x74: {  	_ =	shalt  }
0x75: {  	_ =	shalt  }
0x76: {  	_ =	shalt  }
0x77: {  	_ =	shalt  }
0x78: {  	_ =	shalt  }
0x79: {  	_ =	shalt  }
0x7a: {  	_ =	shalt  }
0x7b: {  	_ =	shalt  }
0x7c: {  	_ =	shalt  }
0x7d: {  	_ =	shalt  }
0x7e: {  	_ =	shalt  }
0x7f: {  	_ =	shalt  }
0x80: {  	_ =	shalt  }
0x81: {  	_ =	shalt  }
0x82: {  	_ =	shalt  }
0x83: {  	_ =	shalt  }
0x84: {  	_ =	shalt  }
0x85: {  	_ =	shalt  }
0x86: {  	_ =	shalt  }
0x87: {  	_ =	shalt  }
.Lfunc_end0:
.L_simem_size_0:
called_computation.3_lowered:
.L_overlay_start_0:
0x88: {  	s2 =	sld [smem:$0x3FD9]  }
0x89: {  	s3 =	sld [smem:$0x3FFE];
	_ =	sdelay $0x1  }
0x8a: {  	s1 =	srdreg.scid  }
0x8b: {  	s0 =	sand.u32 $0x1, s1  }
0x8c: {  	s16 =	sshll.u32 s0, $0xA;
	s2 =	sadd.s32 s3, s2  }
0x8d: {  	s2 =	sadd.s32 s2, s16  }
0x8e: {  	[smem:$0x3FBE] =	sst s2  }
0x8f: {  	_ = 	snop  }
0x90: {  	(tm) =	ssettm $0x1  }
0x91: {  	s17 =	sld [smem:$0x3FFB];
	_ =	sdelay $0x3  }
0x92: {  	_ =	strace s17  }
0x93: {  	s2 =	sld [smem:$0x3FFC];
	_ =	sdelay $0x3  }
0x94: {  	_ =	strace s2  }
0x95: {  	s2 =	sld [smem:$0x3FFD];
	_ =	sdelay $0x3  }
0x96: {  	_ =	strace s2  }
0x97: {  	_ =	strace $0x8FFFFFFF  }
0x98: {  	s18 =	sld [smem:$0x3FDB];
	_ =	sdelay $0x1  }
0x99: {  	s19 =	simm.s32 $_scs_section_size  }
0x9a: {  	s4 =	simm.s32 $_size__tile_overlayer_lowered;
	s5 =	simm.s32 $_tile_overlayer_lowered  }
0x9b: {  	s22 =	simm.s32 $0x1BFF;
	s21 =	sshll.u32 s5, $0x1;
	s2 =	sadd.s32 s19, s18  }
0x9c: {  	s6 =	simm.s32 $0x0;
	s20 =	sshll.u32 s4, $0x1;
	s4 =	sadd.s32 s21, s2  }
0x9d: {  	[timem:s6], [sflag:s22] =	dma.local [hbm:s4], s20  }
0x9e: {  	_ =	swait.ge [sflag:s22], s20  }
0x9f: {  	s3 =	ssub.s32 $0x0, s20;
	[sflag:s22] =	ssyncset.done $0x0  }
0xa0: {  	[sflag:s22] =	ssyncadd.s32 s3;
	_ =	sdelay $0x1  }
0xa1: {  	s23 =	simm.s32 $0x1B8B  }
0xa2: {  	_ =	swait.ge [sflag:s23], $0x1  }
0xa3: {  	[sflag:s23] =	ssyncset.done $0x0  }
0xa4: {  	s25 =	simm.s32 $0x1B8E;
	s24 =	sld [smem:$0x3FFE];
	[sflag:s23] =	ssyncadd.s32 $0xFFFFFFFF  }
0xa5: {  	s26 =	simm.s32 $execute0_lowered;
	[smem:$0x3FD2] =	sst s25  }
0xa6: {  	s4 =	sshll.u32 s26, $0x1;
	_ =	strace $0x8000004F;
	[dreg:$0x1] =	wrdreg $0xFFFFFFFF  }
0xa7: {  	s28 =	simm.s32 $_size_execute0_lowered;
	s2 =	sadd.s32 s2, s4;
	[dreg:$0x0] =	wrdreg $0x0  }
0xa8: {  	s4 =	sshll.u32 s28, $0x1;
	[dreg:$0x2] =	wrdreg s2  }
0xa9: {  	[dreg:$0x3] =	wrdreg s4  }
0xaa: {  	[dreg:$0x4] =	wrdreg $0xC0  }
0xab: {  	_ =	task [dreg:s6], $0x5FFFF  }
0xac: {  	[dreg:$0x1] =	wrdreg $0xFFFFFFFF  }
0xad: {  	[dreg:$0x0] =	wrdreg $0x60  }
0xae: {  	[dreg:$0x2] =	wrdreg s24  }
0xaf: {  	[dreg:$0x3] =	wrdreg $0xA8000  }
0xb0: {  	[dreg:$0x4] =	wrdreg $0x9  }
0xb1: {  	_ =	task.clear_ibuf [dreg:s6], $0x5FFFF;
	_ =	strace $0x9000004F  }
0xb2: {  	s29 =	simm.s32 $0x9;
	_ =	strace $0x80000051  }
0xb3: {  	_ =	swait.ge [sflag:s29], $0x1  }
0xb4: {  	[sflag:s29] =	ssyncadd.s32 $0xFFFFFFFF  }
0xb5: {  	_ =	strace $0x90000051  }
0xb6: {  	_ =	sfence  }
0xb7: {  	s30 =	sld [smem:$0x0];
	_ =	sdelay $0x2  }
0xb8: {  	s31 =	sshll.u32 s1, $0xD;
	s1 =	sshrl.u32 s1, $0x2  }
0xb9: {  	s3 =	sand.u32 $0x4000, s31;
	s1 =	sadd.s32 s1, s30  }
0xba: {  	s0 =	sor.u32 s3, s0;
	s1 =	sshll.u32 s1, $0x11  }
0xbb: {  	s0 =	sor.u32 s1, s0  }
0xbc: {  	s0 =	sadd.s32 $0x8F2B, s0  }
0xbd: {  	[sflag:s0] =	ssyncadd.remote.s32 $0x1  }
0xbe: {  	_ =	sfence.sel $0xFFFF  }
0xbf: {  	[dreg:$0x0] =	wrdreg $0xFFFFFFFF;
	(pc) =	sbr.abs _section_cstart, $3  }
0xc0: {  	[dreg:$0x1] =	wrdreg $0xFFFFFFFF  }
0xc1: {  	_ =	task.clear_ibuf [dreg:s6], $0x2FFFF;
	_ =	strace $0x9FFFFFFF  }
0xc2: {  	(tm) =	ssettm $0x7FFFFFFF  }
0xc3: {  	_ =	shalt  }
tec
execute0_lowered:
.L_overlay_start_1:
0x0: {  	(tag) =	ssettag $0x1  }
0x1: {  	s7 =	rddreg [dreg:$0x0]  }
0x2: {  	s1 =	rddreg [dreg:$0x1]  }
0x3: {  	s2 =	srdreg.scid;
	s0 =	rddreg [dreg:$0x2];
	s3 =	simm.s32 $0x0  }
0x4: {  	s15 =	simm.s32 $0x1400;
	s16 =	simm.s32 $0x80;
	s17 =	simm.s32 $0x2800  }
0x5: {  	s18 =	simm.s32 $0x1;
	s19 =	simm.s32 $0x6800;
	s20 =	simm.s32 $0x2780  }
0x6: {  	s21 =	simm.s32 $0x3;
	s10 =	sand.u32 $0x1, s2;
	s2 =	stileid.u32  }
0x7: {  	s22 =	simm.s32 $0x0;
	[smem:$0x7FF] =	sst s3;
	s6 =	smul.u32 $0x2800, s10  }
0x8: {  	s4 =	sadd.s32 $0xC600, s7;
	s5 =	sadd.s32 $0x61600, s7;
	s8 =	smul.u32 $0x280, s2  }
0x9: {  	_ =	strace $0x80000050;
	s9 =	ssub.s32 $0x2, s10;
	s11 =	smul.u32 $0x50000, s2  }
0xa: {  	s31 =	sshll.u32 s2, $0x6;
	s10 =	smul.u32 $0x50000, s10;
	s12 =	sshrl.u32 s9, $0x1  }
.Ltmp0:
0xb: {  	s8 =	sadd.s32 s8, s6;
	s6 =	sadd.s32 $0x2600, s7;
	(pc) =	sbr.rel .LBB2_1-.Ltmp0, $4  }
0xc: {  	s12 =	ssub.s32 s9, s12;
	s30 =	sshrl.u32 s11, $0x2;
	s9 =	sor.u32 $0x1C04, s31  }
0xd: {  	s8 =	sshll.u32 s8, $0x4;
	s14 =	sadd.s32 s30, s1;
	s12 =	smax.u32 s12, $0x1  }
0xe: {  	s13 =	sadd.s32 s8, s7;
	s7 =	smul.u32 $0xA0, s2;
	s8 =	sadd.s32 s4, s8  }
0xf: {  	s11 =	sadd.s32 $0x115600, s13;
	s13 =	sshrl.u32 s14, $0x3;
	s14 =	simm.s32 $0x4  }
.LBB2_7:
0x10: {  	s22 =	sadd.s32 $0x1, s22  }
0x11: {  	p0 =	sne.s32 s22, s12  }
.Ltmp1:
0x12: {  	[bflag:$0x0] =	sbarrier.arrive $0xFFFF;
	(pc) =	sbr.rel @!p0 .LBB2_8-.Ltmp1, $4  }
0x13: {  	[hbm:s11], [sflag:s9] =	dma.local [spmem:s13], $0x2800  }
0x14: {  	_ =	swait.ge [sflag:s14], $0x2800  }
0x15: {  	[sflag:s14] =	ssyncset.done $0x0  }
0x16: {  	[sflag:s14] =	ssyncadd.s32 $0xFFFFD800  }
.LBB2_1:
0x17: {  	[spmem:s13], [sflag:s9] =	dma.local [hbm:s8], $0x2800  }
.Ltmp2:
0x18: {  	_ =	swait.ge [sflag:s14], $0x2800;
	(pc) =	sbr.rel .LBB2_2-.Ltmp2, $4  }
0x19: {  	[sflag:s14] =	ssyncset.done $0x0  }
0x1a: {  	[sflag:s14] =	ssyncadd.s32 $0xFFFFD800  }
0x1b: {  	[bflag:$0x0] =	sbarrier.arrive $0xFFFF  }
0x1c: {  	s23 =	simm.s32 $0x0  }
.LBB2_4:
0x1d: {  	s24 =	sor.u32 $0x2, s29  }
0x1e: {  	[spmem:s1] =	stream.indirect.scatter.add.f32 [tilespmem:s30], [sflag:s24], $0x80, s20, s16, $0xb8;
	[tilespmem:$0x1E800] =	vst v63  }
.LBB2_6:
0x1f: {  	s23 =	sadd.s32 $0x1, s23  }
0x20: {  	p0 =	sne.s32 s23, $0x4  }
.Ltmp3:
0x21: {  	_ = 	snop;
	(pc) =	sbr.rel @!p0 .LBB2_7-.Ltmp3, $4  }
0x22: {  	_ = 	snop  }
0x23: {  	_ =	swait.ge [sflag:s21], $0x4000  }
0x24: {  	[sflag:s21] =	ssyncset.done $0x0  }
0x25: {  	[sflag:s21] =	ssyncadd.s32 $0xFFFFC000  }
.LBB2_2:
0x26: {  	s24 =	smul.u32 $0x28, s23;
	_ =	sdelay $0x1  }
0x27: {  	s24 =	sadd.s32 s7, s24  }
0x28: {  	s25 =	sshll.u32 s24, $0x7  }
0x29: {  	s25 =	sadd.s32 s10, s25  }
0x2a: {  	s25 =	sshrl.u32 s25, $0x3  }
0x2b: {  	s25 =	sadd.s32 s5, s25  }
0x2c: {  	[tilespmem:s3], [sflag:$0x4] =	stream.linear.gather [hbm4b:s25+s3], $0x1400, $0x38;
	[tilespmem:$0x1E800] =	vst v63  }
0x2d: {  	_ =	swait.ge [sflag:s14], $0x1400  }
0x2e: {  	s24 =	sshll.u32 s24, $0x4;
	[sflag:s14] =	ssyncset.done $0x0  }
0x2f: {  	s24 =	sadd.s32 s6, s24;
	[sflag:s14] =	ssyncadd.s32 $0xFFFFEC00  }
0x30: {  	[tilespmem:s15], [sflag:$0x4] =	stream.linear.gather [hbm4b:s24+s3], $0x1400, $0x38;
	[tilespmem:$0x1E800] =	vst v63  }
0x31: {  	_ =	swait.ge [sflag:s14], $0x1400  }
0x32: {  	[sflag:s14] =	ssyncset.done $0x0  }
0x33: {  	[sflag:s14] =	ssyncadd.s32 $0xFFFFEC00  }
0x34: {  	[tilespmem:s17], [sflag:$0x1] =	stream.indirect.gather [hbm4b:s4+s16], $0x80, s3, s16, $0xb8;
	[tilespmem:$0x1E800] =	vst v63  }
0x35: {  	_ =	swait.ge [sflag:s18], $0x4000  }
0x36: {  	[sflag:s18] =	ssyncset.done $0x0  }
0x37: {  	[sflag:s18] =	ssyncadd.s32 $0xFFFFC000  }
0x38: {  	[tilespmem:s19], [sflag:$0x1] =	stream.indirect.gather [hbm4b:s4+s16], $0x80, s16, s16, $0xb8;
	[tilespmem:$0x1E800] =	vst v63  }
0x39: {  	s26 =	simm.s32 $0x100;
	s25 =	simm.s32 $0x2;
	s24 =	simm.s32 $0x1480  }
0x3a: {  	[spmem:s1] =	stream.indirect.scatter.add.f32 [tilespmem:s17], [sflag:$0x2], $0x80, s15, s16, $0xb8;
	[tilespmem:$0x1E800] =	vst v63  }
.LBB2_3:
0x3b: {  	_ =	swait.ge [sflag:s18], $0x4000;
	p0 =	sne.s32 s25, $0x28  }
.Ltmp4:
0x3c: {  	s28 =	sand.u32 $0x1, s25;
	[sflag:s18] =	ssyncset.done $0x0;
	(pc) =	sbr.rel @!p0 .LBB2_4-.Ltmp4, $4  }
0x3d: {  	s29 =	sadd.s32 $0xFFFFFFFF, s25;
	s31 =	sor.u32 $0x2, s28;
	[sflag:s18] =	ssyncadd.s32 $0xFFFFC000  }
0x3e: {  	s29 =	sand.u32 $0x1, s29;
	_ =	swait.ge [sflag:s31], $0x4000  }
0x3f: {  	s30 =	sshll.u32 s29, $0xE;
	[sflag:s31] =	ssyncset.done $0x0  }
0x40: {  	s30 =	sor.u32 $0x2800, s30;
	[sflag:s31] =	ssyncadd.s32 $0xFFFFC000  }
0x41: {  	s28 =	sshll.u32 s28, $0xE;
	s25 =	sadd.s32 $0x1, s25  }
0x42: {  	s28 =	sor.u32 $0x2800, s28;
	p0 =	sne.s32 s25, $0x29  }
0x43: {  	[tilespmem:s28], [sflag:$0x1] =	stream.indirect.gather [hbm4b:s4+s16], $0x80, s26, s16, $0xb8;
	[tilespmem:$0x1E800] =	vst v63  }
.Ltmp5:
0x44: {  	_ = 	snop;
	(pc) =	sbr.rel @p0 .LBB2_3-.Ltmp5, $4  }
.Ltmp6:
0x45: {  	_ = 	snop;
	(pc) =	sbr.rel @!p0 .LBB2_6-.Ltmp6, $4  }
0x46: {  	s31 =	sor.u32 $0x2, s29  }
0x47: {  	[spmem:s1] =	stream.indirect.scatter.add.f32 [tilespmem:s30], [sflag:s31], $0x80, s24, s16, $0xb8;
	[tilespmem:$0x1E800] =	vst v63  }
0x48: {  	s26 =	sadd.s32 $0x80, s26;
	s24 =	sadd.s32 $0x80, s24  }
0x49: {  	_ = 	snop  }
.LBB2_8:
0x4a: {  	_ =	sfence.sel $0x180000  }
0x4b: {  	[bflag:$0x0] =	sbarrier.arrive $0xFFFF  }
0x4c: {  	p0 =	sne.s32 s2, $0x0;
	_ =	strace $0x90000050  }
0x4d: {  	s0 =	sadd.s32 @!p0 $0x100000, s0;
	[bflag:$0x2] =	sbarrier.arrive $0xFFFF  }
0x4e: {  	[sflag:s0] =	ssyncadd.tile.s32 @!p0 $0x1;
	_ =	shalt  }
.Lfunc_end2:
_tile_overlayer_lowered:
.L_overlay_start_2:
0x4f: {  	(tag) =	ssettag $0x2  }
0x50: {  	s0 =	rddreg [dreg:$0x0];
	s2 =	stileid.u32  }
0x51: {  	s1 =	rddreg [dreg:$0x1];
	p0 =	sne.s32 s2, $0x0  }
0x52: {  	s3 =	rddreg [dreg:$0x2];
	[bflag:$0x3] =	sbarrier.arrive $0xFFFF;
	s2 =	simm.s32 @!p0 $0x1C04  }
0x53: {  	[timem:s3], [sflag:s2] =	dma.local @!p0 [hbm:s0], s1  }
0x54: {  	s0 =	simm.s32 @!p0 $0x4  }
0x55: {  	_ =	swait.ge @!p0 [sflag:s0], s1  }
0x56: {  	s1 =	ssub.s32 @!p0 $0x0, s1;
	[sflag:s0] =	ssyncset.done @!p0 $0x0  }
0x57: {  	[sflag:s0] =	ssyncadd.s32 @!p0 s1  }
0x58: {  	[bflag:$0x3] =	sbarrier.arrive $0xFFFF  }
0x59: {  	_ =	shalt  }

</sc_bundles>
